<compile_context>
chip_gen: v7x
topology: tpu7x:2x2x1
jax: 0.10.2.dev20260603
libtpu: 0.0.44.dev20260713+nightly
codegen_flags: <defaults>
</compile_context>

<pallas_src>
import functools

import jax
import jax.numpy as jnp
from jax import lax
from jax.experimental import pallas as pl
from jax.experimental.pallas import tpu as pltpu
from jax.experimental.pallas import tpu_sc as plsc

_N = 7056
_NW = 16
_G = 4
_GW = _G * 84
_CHUNK = 448
_TAIL = _N - (_NW - 1) * _CHUNK
_COLS = (0, 16, 32, 48, 64, 68)

_mesh = plsc.VectorSubcoreMesh(
    core_axis_name="c", subcore_axis_name="s", num_cores=1, num_subcores=16
)


def _bfly(v, op):
    iota = lax.iota(jnp.int32, 16)
    for k in (8, 4, 2, 1):
        v = op(v, v.at[iota ^ k].get(mode="promise_in_bounds"))
    return v


@functools.partial(
    pl.kernel,
    out_type=jax.ShapeDtypeStruct((1, _N), jnp.float32),
    mesh=_mesh,
    compiler_params=pltpu.CompilerParams(use_tc_tiling_on_sc=False),
    scratch_types=[
        pltpu.VMEM((2 * _G, 84), jnp.float32),
        pltpu.VMEM((_CHUNK,), jnp.float32),
        pltpu.VMEM((2, 16), jnp.float32),
        pltpu.VMEM((16, 2, 16), jnp.float32),
        pltpu.VMEM((16,), jnp.float32),
        pltpu.HBM((16, 2, 16), jnp.float32),
        pltpu.SemaphoreType.DMA,
        pltpu.SemaphoreType.DMA,
        pltpu.SemaphoreType.DMA,
    ],
)
def _sc_argmax_onehot(x_hbm, o_hbm, xbuf, zbuf, cbuf, msbuf, ohbuf, sh,
                      sem_in, sem_z, sem_p):
    s = lax.axis_index("s")
    iota = lax.iota(jnp.int32, 16)
    last = s == _NW - 1
    gbase = s * _GW
    zbase = s * _CHUNK

    in_a = pltpu.make_async_copy(
        x_hbm.at[pl.ds(s * _G, _G)], xbuf.at[pl.ds(0, _G)], sem_in)
    in_b = pltpu.make_async_copy(
        x_hbm.at[pl.ds((16 + s) * _G, _G)], xbuf.at[pl.ds(_G, _G)], sem_in)
    in_a.start()

    @pl.when(s < 5)
    def _load_b():
        in_b.start()

    zeros = jnp.zeros((16,), jnp.float32)

    def _zbody(j, carry):
        zbuf[pl.ds(j * 16, 16)] = zeros
        return carry

    lax.fori_loop(0, _CHUNK // 16, _zbody, 0)

    z_full = pltpu.make_async_copy(
        zbuf, o_hbm.at[0, pl.ds(zbase, _CHUNK)], sem_z)
    z_tail = pltpu.make_async_copy(
        zbuf.at[pl.ds(0, _TAIL)], o_hbm.at[0, pl.ds(zbase, _TAIL)], sem_z)

    @pl.when(jnp.logical_not(last))
    def _zero_full():
        z_full.start()

    @pl.when(last)
    def _zero_tail():
        z_tail.start()

    in_a.wait()

    @pl.when(s < 5)
    def _wait_b():
        in_b.wait()

    m0 = jnp.full((16,), -jnp.inf, jnp.float32)
    mi0 = jnp.zeros((16,), jnp.int32)

    def _sbody(r, carry):
        m, mi = carry
        roff = gbase + 84 * r + jnp.where(r >= _G, 5376 - _GW, 0)
        for c in _COLS:
            v = xbuf[r, pl.ds(c, 16)]
            iv = iota + (roff + c)
            upd = jnp.logical_and(v > m, iv < _N)
            m = jnp.where(upd, v, m)
            mi = jnp.where(upd, iv, mi)
        return m, mi

    m, mi = lax.fori_loop(0, 2 * _G, _sbody, (m0, mi0))

    wmaxv = _bfly(m, jnp.maximum)
    widxv = _bfly(jnp.where(m == wmaxv, mi, _N), jnp.minimum)
    cbuf[0] = wmaxv
    cbuf[1] = widxv.astype(jnp.float32)
    pub = pltpu.make_async_copy(cbuf, sh.at[s], sem_p)
    pub.start()

    @pl.when(jnp.logical_not(last))
    def _wait_zero_full():
        z_full.wait()

    @pl.when(last)
    def _wait_zero_tail():
        z_tail.wait()

    pub.wait()
    plsc.subcore_barrier()

    @pl.when(s == 0)
    def _merge():
        pltpu.sync_copy(sh, msbuf)
        gv = msbuf[0, 0]
        for r in range(1, _NW):
            gv = jnp.maximum(gv, msbuf[r, 0])
        givf = jnp.where(msbuf[0, 0] == gv, msbuf[0, 1], float(_N))
        for r in range(1, _NW):
            givf = jnp.minimum(
                givf, jnp.where(msbuf[r, 0] == gv, msbuf[r, 1], float(_N)))
        giv = givf.astype(jnp.int32)
        ohbuf[...] = jnp.where(iota == (giv & 15), 1.0,
                               0.0).astype(jnp.float32)
        win = (giv[0] // 16) * 16
        pltpu.sync_copy(ohbuf, o_hbm.at[0, pl.ds(win, 16)])


@jax.jit
def kernel(inputs):
    return _sc_argmax_onehot(inputs)

# --- scband reference (transcript-rebuilt; emitter-appended) ---
"""Pipeline reference for scband-pick-qlayer-32787780337914 (READ-ONLY COPY).

The authoritative reference and input builder live on the scoring server;
editing this copy changes nothing except your own understanding.
"""

import jax, jax.numpy as jnp
import numpy as np


def setup_inputs(seed: int = 0) -> dict:
    key = jax.random.key(seed)
    inputs = jax.random.normal(key, (84, 84), dtype=jnp.float32)
    return {"inputs": inputs}


def reference(inputs):
    # Faithful translation of PickQLayer.call:
    #   inputs = tf.reshape(inputs, 7056)
    #   idx = argmax(inputs)
    #   action = zeros((1, 7056)); action[0][idx] = 1
    x = jnp.reshape(inputs, (7056,))
    idx = jnp.argmax(x)
    action = jnp.zeros((1, 7056), dtype=jnp.float32).at[0, idx].set(1.0)
    return action

if __name__ == "__main__":
    import jax
    _d = setup_inputs()
    print(jax.jit(kernel)(*tuple(_d.values())))

</pallas_src>

<mosaic_0001>
#map = affine_map<(d0, d1) -> (0, 0)>
module attributes {stable_mosaic.version = 14 : i64} {
  func.func @_sc_argmax_onehot(%arg0: i32, %arg1: i32, %arg2: memref<84x84xf32, #tpu.memory_space<hbm>>, %arg3: memref<1x7056xf32, #tpu.memory_space<hbm>>, %arg4: memref<8x84xf32, #tpu.memory_space<vmem>>, %arg5: memref<448xf32, #tpu.memory_space<vmem>>, %arg6: memref<2x16xf32, #tpu.memory_space<vmem>>, %arg7: memref<16x2x16xf32, #tpu.memory_space<vmem>>, %arg8: memref<16xf32, #tpu.memory_space<vmem>>, %arg9: memref<16x2x16xf32, #tpu.memory_space<hbm>>, %arg10: memref<!tpu.dma_semaphore, #tpu.memory_space<semaphore_mem>>, %arg11: memref<!tpu.dma_semaphore, #tpu.memory_space<semaphore_mem>>, %arg12: memref<!tpu.dma_semaphore, #tpu.memory_space<semaphore_mem>>) attributes {dimension_semantics = [#tpu.dimension_semantics<core_parallel>, #tpu.dimension_semantics<subcore_parallel>], iteration_bounds = array<i64: 1, 16>, scalar_prefetch = 0 : i64, scratch_operands = 9 : i64, tpu.core_type = #tpu.core_type<sc_vector_subcore>, window_params = [{transform_indices = #map}, {transform_indices = #map}]} {
    %iota3A = tpu.iota {dimensions = array<i32: 0>} : vector<16xi32>
    %eq3A = arith.constant 15 : i32
    %eq3A_0 = arith.cmpi eq, %arg1, %eq3A : i32
    %mul3A = arith.constant 336 : i32
    %mul3A_1 = arith.muli %arg1, %mul3A : i32
    %mul3A_2 = arith.constant 448 : i32
    %mul3A_3 = arith.muli %arg1, %mul3A_2 : i32
    %mul3A_4 = arith.constant 4 : i32
    %mul3A_5 = arith.muli %arg1, %mul3A_4 : i32
    %add3A = arith.constant 16 : i32
    %add3A_6 = arith.addi %add3A, %arg1 : i32
    %mul3A_7 = arith.constant 4 : i32
    %mul3A_8 = arith.muli %add3A_6, %mul3A_7 : i32
    %dma_start3A = arith.constant 0 : i32
    %dma_start3A_9 = arith.constant 0 : i32
    %dma_start3A_10 = tpu.memref_slice %arg4[%dma_start3A, %dma_start3A_9] : memref<8x84xf32, #tpu.memory_space<vmem>> -> memref<4x84xf32, #tpu.memory_space<vmem>>
    %dma_start3A_11 = arith.constant 0 : i32
    %dma_start3A_12 = tpu.memref_slice %arg2[%mul3A_5, %dma_start3A_11] : memref<84x84xf32, #tpu.memory_space<hbm>> -> memref<4x84xf32, #tpu.memory_space<hbm>>
    %dma_start3A_13 = arith.constant 0 : i32
    %dma_start3A_14 = arith.constant 0 : i32
    %dma_start3A_15 = tpu.memref_slice %arg4[%dma_start3A_13, %dma_start3A_14] : memref<8x84xf32, #tpu.memory_space<vmem>> -> memref<4x84xf32, #tpu.memory_space<vmem>>
    %dma_start3A_16 = arith.constant 0 : i32
    %dma_start3A_17 = tpu.memref_slice %arg2[%mul3A_5, %dma_start3A_16] : memref<84x84xf32, #tpu.memory_space<hbm>> -> memref<4x84xf32, #tpu.memory_space<hbm>>
    tpu.enqueue_dma source(%dma_start3A_17 : memref<4x84xf32, #tpu.memory_space<hbm>>) target(%dma_start3A_15 : memref<4x84xf32, #tpu.memory_space<vmem>>) target_semaphore(%arg10 : memref<!tpu.dma_semaphore, #tpu.memory_space<semaphore_mem>>)
    %lt3A = arith.constant 5 : i32
    %lt3A_18 = arith.cmpi slt, %arg1, %lt3A : i32
    %convert_element_type3A = arith.extui %lt3A_18 : i1 to i32
    %cond3A = arith.constant 0 : i32
    %cond3A_19 = arith.cmpi ne, %convert_element_type3A, %cond3A : i32
    scf.if %cond3A_19 {
      %dma_start3A_214 = arith.constant 4 : i32
      %dma_start3A_215 = arith.constant 0 : i32
      %dma_start3A_216 = tpu.memref_slice %arg4[%dma_start3A_214, %dma_start3A_215] : memref<8x84xf32, #tpu.memory_space<vmem>> -> memref<4x84xf32, #tpu.memory_space<vmem>>
      %dma_start3A_217 = arith.constant 0 : i32
      %dma_start3A_218 = tpu.memref_slice %arg2[%mul3A_8, %dma_start3A_217] : memref<84x84xf32, #tpu.memory_space<hbm>> -> memref<4x84xf32, #tpu.memory_space<hbm>>
      %dma_start3A_219 = arith.constant 4 : i32
      %dma_start3A_220 = arith.constant 0 : i32
      %dma_start3A_221 = tpu.memref_slice %arg4[%dma_start3A_219, %dma_start3A_220] : memref<8x84xf32, #tpu.memory_space<vmem>> -> memref<4x84xf32, #tpu.memory_space<vmem>>
      %dma_start3A_222 = arith.constant 0 : i32
      %dma_start3A_223 = tpu.memref_slice %arg2[%mul3A_8, %dma_start3A_222] : memref<84x84xf32, #tpu.memory_space<hbm>> -> memref<4x84xf32, #tpu.memory_space<hbm>>
      tpu.enqueue_dma source(%dma_start3A_223 : memref<4x84xf32, #tpu.memory_space<hbm>>) target(%dma_start3A_221 : memref<4x84xf32, #tpu.memory_space<vmem>>) target_semaphore(%arg10 : memref<!tpu.dma_semaphore, #tpu.memory_space<semaphore_mem>>)
    } else {
    }
    %broadcast_in_dim3A = arith.constant 0.000000e+00 : f32
    %broadcast_in_dim3A_20 = vector.broadcast %broadcast_in_dim3A : f32 to vector<16xf32>
    %scan3A = arith.constant 0 : i32
    %scan3A_21 = arith.constant 0 : i32
    %scan3A_22 = arith.constant 28 : i32
    %scan3A_23 = arith.addi %scan3A_21, %scan3A_22 : i32
    %scan3A_24 = arith.constant 1 : i32
    scf.for %scan3A_214 = %scan3A_21 to %scan3A_23 step %scan3A_24  : i32 {
      %mul3A_215 = arith.constant 16 : i32
      %mul3A_216 = arith.muli %scan3A_214, %mul3A_215 : i32
      %swap3A_217 = arith.index_cast %mul3A_216 : i32 to index
      %swap3A_218 = tpu.vector_load %arg5[%swap3A_217] {strides = array<i32>} : memref<448xf32, #tpu.memory_space<vmem>>, vector<16xf32>,
      %swap3A_219 = vector.shape_cast %swap3A_218 : vector<16xf32> to vector<16xf32>
      %swap3A_220 = vector.shape_cast %broadcast_in_dim3A_20 : vector<16xf32> to vector<16xf32>
      tpu.vector_store %arg5[%swap3A_217], %swap3A_220 {strides = array<i32>} : memref<448xf32, #tpu.memory_space<vmem>>, vector<16xf32>,
    }
    %scan3A_25 = arith.constant 28 : i32
    %not3A = arith.constant true
    %not3A_26 = arith.xori %eq3A_0, %not3A : i1
    %convert_element_type3A_27 = arith.extui %not3A_26 : i1 to i32
    %cond3A_28 = arith.constant 0 : i32
    %cond3A_29 = arith.constant 0 : i32
    %cond3A_30 = arith.cmpi ne, %convert_element_type3A_27, %cond3A_29 : i32
    scf.if %cond3A_30 {
      %dma_start3A_214 = tpu.memref_slice %arg3[%cond3A_28, %mul3A_3] : memref<1x7056xf32, #tpu.memory_space<hbm>> -> memref<1x448xf32, #tpu.memory_space<hbm>>
      %dma_start3A_215 = tpu.memref_squeeze %dma_start3A_214 : memref<1x448xf32, #tpu.memory_space<hbm>> -> memref<448xf32, #tpu.memory_space<hbm>>
      %dma_start3A_216 = tpu.memref_slice %arg3[%cond3A_28, %mul3A_3] : memref<1x7056xf32, #tpu.memory_space<hbm>> -> memref<1x448xf32, #tpu.memory_space<hbm>>
      %dma_start3A_217 = tpu.memref_squeeze %dma_start3A_216 : memref<1x448xf32, #tpu.memory_space<hbm>> -> memref<448xf32, #tpu.memory_space<hbm>>
      tpu.enqueue_dma source(%arg5 : memref<448xf32, #tpu.memory_space<vmem>>) target(%dma_start3A_217 : memref<448xf32, #tpu.memory_space<hbm>>) target_semaphore(%arg11 : memref<!tpu.dma_semaphore, #tpu.memory_space<semaphore_mem>>)
    } else {
    }
    %convert_element_type3A_31 = arith.extui %eq3A_0 : i1 to i32
    %cond3A_32 = arith.constant 0 : i32
    %cond3A_33 = arith.constant 0 : i32
    %cond3A_34 = arith.cmpi ne, %convert_element_type3A_31, %cond3A_33 : i32
    scf.if %cond3A_34 {
      %dma_start3A_214 = arith.constant 0 : i32
      %dma_start3A_215 = tpu.memref_slice %arg5[%dma_start3A_214] : memref<448xf32, #tpu.memory_space<vmem>> -> memref<336xf32, #tpu.memory_space<vmem>>
      %dma_start3A_216 = tpu.memref_slice %arg3[%cond3A_32, %mul3A_3] : memref<1x7056xf32, #tpu.memory_space<hbm>> -> memref<1x336xf32, #tpu.memory_space<hbm>>
      %dma_start3A_217 = tpu.memref_squeeze %dma_start3A_216 : memref<1x336xf32, #tpu.memory_space<hbm>> -> memref<336xf32, #tpu.memory_space<hbm>>
      %dma_start3A_218 = tpu.memref_slice %arg3[%cond3A_32, %mul3A_3] : memref<1x7056xf32, #tpu.memory_space<hbm>> -> memref<1x336xf32, #tpu.memory_space<hbm>>
      %dma_start3A_219 = tpu.memref_squeeze %dma_start3A_218 : memref<1x336xf32, #tpu.memory_space<hbm>> -> memref<336xf32, #tpu.memory_space<hbm>>
      %dma_start3A_220 = arith.constant 0 : i32
      %dma_start3A_221 = tpu.memref_slice %arg5[%dma_start3A_220] : memref<448xf32, #tpu.memory_space<vmem>> -> memref<336xf32, #tpu.memory_space<vmem>>
      tpu.enqueue_dma source(%dma_start3A_221 : memref<336xf32, #tpu.memory_space<vmem>>) target(%dma_start3A_219 : memref<336xf32, #tpu.memory_space<hbm>>) target_semaphore(%arg11 : memref<!tpu.dma_semaphore, #tpu.memory_space<semaphore_mem>>)
    } else {
    }
    %dma_wait3A = arith.constant 0 : i32
    %dma_wait3A_35 = arith.constant 0 : i32
    %dma_wait3A_36 = tpu.memref_slice %arg4[%dma_wait3A, %dma_wait3A_35] : memref<8x84xf32, #tpu.memory_space<vmem>> -> memref<4x84xf32, #tpu.memory_space<vmem>>
    %dma_wait3A_37 = arith.constant 0 : i32
    %dma_wait3A_38 = tpu.memref_slice %arg2[%mul3A_5, %dma_wait3A_37] : memref<84x84xf32, #tpu.memory_space<hbm>> -> memref<4x84xf32, #tpu.memory_space<hbm>>
    %dma_wait3A_39 = arith.constant 0 : i32
    %dma_wait3A_40 = arith.constant 0 : i32
    %dma_wait3A_41 = tpu.memref_slice %arg4[%dma_wait3A_39, %dma_wait3A_40] : memref<8x84xf32, #tpu.memory_space<vmem>> -> memref<4x84xf32, #tpu.memory_space<vmem>>
    %dma_wait3A_42 = arith.constant 0 : i32
    %dma_wait3A_43 = tpu.memref_slice %arg2[%mul3A_5, %dma_wait3A_42] : memref<84x84xf32, #tpu.memory_space<hbm>> -> memref<4x84xf32, #tpu.memory_space<hbm>>
    tpu.wait_dma2 semaphore(%arg10 : memref<!tpu.dma_semaphore, #tpu.memory_space<semaphore_mem>>) src(%dma_wait3A_43 : memref<4x84xf32, #tpu.memory_space<hbm>>) dst(%dma_wait3A_41 : memref<4x84xf32, #tpu.memory_space<vmem>>)
    %lt3A_44 = arith.constant 5 : i32
    %lt3A_45 = arith.cmpi slt, %arg1, %lt3A_44 : i32
    %convert_element_type3A_46 = arith.extui %lt3A_45 : i1 to i32
    %cond3A_47 = arith.constant 0 : i32
    %cond3A_48 = arith.cmpi ne, %convert_element_type3A_46, %cond3A_47 : i32
    scf.if %cond3A_48 {
      %dma_wait3A_214 = arith.constant 4 : i32
      %dma_wait3A_215 = arith.constant 0 : i32
      %dma_wait3A_216 = tpu.memref_slice %arg4[%dma_wait3A_214, %dma_wait3A_215] : memref<8x84xf32, #tpu.memory_space<vmem>> -> memref<4x84xf32, #tpu.memory_space<vmem>>
      %dma_wait3A_217 = arith.constant 0 : i32
      %dma_wait3A_218 = tpu.memref_slice %arg2[%mul3A_8, %dma_wait3A_217] : memref<84x84xf32, #tpu.memory_space<hbm>> -> memref<4x84xf32, #tpu.memory_space<hbm>>
      %dma_wait3A_219 = arith.constant 4 : i32
      %dma_wait3A_220 = arith.constant 0 : i32
      %dma_wait3A_221 = tpu.memref_slice %arg4[%dma_wait3A_219, %dma_wait3A_220] : memref<8x84xf32, #tpu.memory_space<vmem>> -> memref<4x84xf32, #tpu.memory_space<vmem>>
      %dma_wait3A_222 = arith.constant 0 : i32
      %dma_wait3A_223 = tpu.memref_slice %arg2[%mul3A_8, %dma_wait3A_222] : memref<84x84xf32, #tpu.memory_space<hbm>> -> memref<4x84xf32, #tpu.memory_space<hbm>>
      tpu.wait_dma2 semaphore(%arg10 : memref<!tpu.dma_semaphore, #tpu.memory_space<semaphore_mem>>) src(%dma_wait3A_223 : memref<4x84xf32, #tpu.memory_space<hbm>>) dst(%dma_wait3A_221 : memref<4x84xf32, #tpu.memory_space<vmem>>)
    } else {
    }
    %broadcast_in_dim3A_49 = arith.constant 0xFF800000 : f32
    %broadcast_in_dim3A_50 = vector.broadcast %broadcast_in_dim3A_49 : f32 to vector<16xf32>
    %broadcast_in_dim3A_51 = arith.constant 0 : i32
    %broadcast_in_dim3A_52 = vector.broadcast %broadcast_in_dim3A_51 : i32 to vector<16xi32>
    %scan3A_53 = arith.constant 0 : i32
    %scan3A_54 = arith.constant 8 : i32
    %scan3A_55 = arith.addi %scan3A_53, %scan3A_54 : i32
    %scan3A_56 = arith.constant 1 : i32
    %scan3A_57:2 = scf.for %scan3A_214 = %scan3A_53 to %scan3A_55 step %scan3A_56 iter_args(%scan3A_215 = %broadcast_in_dim3A_50, %scan3A_216 = %broadcast_in_dim3A_52) -> (vector<16xf32>, vector<16xi32>)  : i32 {
      %mul3A_217 = arith.constant 84 : i32
      %mul3A_218 = arith.muli %mul3A_217, %scan3A_214 : i32
      %add3A_219 = arith.addi %mul3A_1, %mul3A_218 : i32
      %ge3A = arith.constant 4 : i32
      %ge3A_220 = arith.cmpi sge, %scan3A_214, %ge3A : i32
      %jit3A_221 = arith.constant 5040 : i32
      %jit3A_222 = arith.constant 0 : i32
      %select_n3A_223 = arith.select %ge3A_220, %jit3A_221, %jit3A_222 : i32
      %add3A_224 = arith.addi %add3A_219, %select_n3A_223 : i32
      %get3A = arith.index_cast %scan3A_214 : i32 to index
      %get3A_225 = arith.constant 0 : index
      %get3A_226 = tpu.vector_load %arg4[%get3A, %get3A_225] {strides = array<i32>} : memref<8x84xf32, #tpu.memory_space<vmem>>, vector<1x16xf32>,
      %get3A_227 = vector.shape_cast %get3A_226 : vector<1x16xf32> to vector<16xf32>
      %add3A_228 = arith.constant 0 : i32
      %add3A_229 = arith.addi %add3A_224, %add3A_228 : i32
      %add3A_230 = vector.broadcast %add3A_229 : i32 to vector<16xi32>
      %add3A_231 = arith.addi %iota3A, %add3A_230 : vector<16xi32>
      %gt3A = arith.cmpf ogt, %get3A_227, %scan3A_215 : vector<16xf32>
      %lt3A_232 = arith.constant 7056 : i32
      %lt3A_233 = vector.broadcast %lt3A_232 : i32 to vector<16xi32>
      %lt3A_234 = arith.cmpi slt, %add3A_231, %lt3A_233 : vector<16xi32>
      %and3A = arith.andi %gt3A, %lt3A_234 : vector<16xi1>
      %select_n3A_235 = arith.select %and3A, %get3A_227, %scan3A_215 : vector<16xi1>, vector<16xf32>
      %select_n3A_236 = arith.select %and3A, %add3A_231, %scan3A_216 : vector<16xi1>, vector<16xi32>
      %get3A_237 = arith.index_cast %scan3A_214 : i32 to index
      %get3A_238 = arith.constant 16 : index
      %get3A_239 = tpu.vector_load %arg4[%get3A_237, %get3A_238] {strides = array<i32>} : memref<8x84xf32, #tpu.memory_space<vmem>>, vector<1x16xf32>,
      %get3A_240 = vector.shape_cast %get3A_239 : vector<1x16xf32> to vector<16xf32>
      %add3A_241 = arith.constant 16 : i32
      %add3A_242 = arith.addi %add3A_224, %add3A_241 : i32
      %add3A_243 = vector.broadcast %add3A_242 : i32 to vector<16xi32>
      %add3A_244 = arith.addi %iota3A, %add3A_243 : vector<16xi32>
      %gt3A_245 = arith.cmpf ogt, %get3A_240, %select_n3A_235 : vector<16xf32>
      %lt3A_246 = arith.constant 7056 : i32
      %lt3A_247 = vector.broadcast %lt3A_246 : i32 to vector<16xi32>
      %lt3A_248 = arith.cmpi slt, %add3A_244, %lt3A_247 : vector<16xi32>
      %and3A_249 = arith.andi %gt3A_245, %lt3A_248 : vector<16xi1>
      %select_n3A_250 = arith.select %and3A_249, %get3A_240, %select_n3A_235 : vector<16xi1>, vector<16xf32>
      %select_n3A_251 = arith.select %and3A_249, %add3A_244, %select_n3A_236 : vector<16xi1>, vector<16xi32>
      %get3A_252 = arith.index_cast %scan3A_214 : i32 to index
      %get3A_253 = arith.constant 32 : index
      %get3A_254 = tpu.vector_load %arg4[%get3A_252, %get3A_253] {strides = array<i32>} : memref<8x84xf32, #tpu.memory_space<vmem>>, vector<1x16xf32>,
      %get3A_255 = vector.shape_cast %get3A_254 : vector<1x16xf32> to vector<16xf32>
      %add3A_256 = arith.constant 32 : i32
      %add3A_257 = arith.addi %add3A_224, %add3A_256 : i32
      %add3A_258 = vector.broadcast %add3A_257 : i32 to vector<16xi32>
      %add3A_259 = arith.addi %iota3A, %add3A_258 : vector<16xi32>
      %gt3A_260 = arith.cmpf ogt, %get3A_255, %select_n3A_250 : vector<16xf32>
      %lt3A_261 = arith.constant 7056 : i32
      %lt3A_262 = vector.broadcast %lt3A_261 : i32 to vector<16xi32>
      %lt3A_263 = arith.cmpi slt, %add3A_259, %lt3A_262 : vector<16xi32>
      %and3A_264 = arith.andi %gt3A_260, %lt3A_263 : vector<16xi1>
      %select_n3A_265 = arith.select %and3A_264, %get3A_255, %select_n3A_250 : vector<16xi1>, vector<16xf32>
      %select_n3A_266 = arith.select %and3A_264, %add3A_259, %select_n3A_251 : vector<16xi1>, vector<16xi32>
      %get3A_267 = arith.index_cast %scan3A_214 : i32 to index
      %get3A_268 = arith.constant 48 : index
      %get3A_269 = tpu.vector_load %arg4[%get3A_267, %get3A_268] {strides = array<i32>} : memref<8x84xf32, #tpu.memory_space<vmem>>, vector<1x16xf32>,
      %get3A_270 = vector.shape_cast %get3A_269 : vector<1x16xf32> to vector<16xf32>
      %add3A_271 = arith.constant 48 : i32
      %add3A_272 = arith.addi %add3A_224, %add3A_271 : i32
      %add3A_273 = vector.broadcast %add3A_272 : i32 to vector<16xi32>
      %add3A_274 = arith.addi %iota3A, %add3A_273 : vector<16xi32>
      %gt3A_275 = arith.cmpf ogt, %get3A_270, %select_n3A_265 : vector<16xf32>
      %lt3A_276 = arith.constant 7056 : i32
      %lt3A_277 = vector.broadcast %lt3A_276 : i32 to vector<16xi32>
      %lt3A_278 = arith.cmpi slt, %add3A_274, %lt3A_277 : vector<16xi32>
      %and3A_279 = arith.andi %gt3A_275, %lt3A_278 : vector<16xi1>
      %select_n3A_280 = arith.select %and3A_279, %get3A_270, %select_n3A_265 : vector<16xi1>, vector<16xf32>
      %select_n3A_281 = arith.select %and3A_279, %add3A_274, %select_n3A_266 : vector<16xi1>, vector<16xi32>
      %get3A_282 = arith.index_cast %scan3A_214 : i32 to index
      %get3A_283 = arith.constant 64 : index
      %get3A_284 = tpu.vector_load %arg4[%get3A_282, %get3A_283] {strides = array<i32>} : memref<8x84xf32, #tpu.memory_space<vmem>>, vector<1x16xf32>,
      %get3A_285 = vector.shape_cast %get3A_284 : vector<1x16xf32> to vector<16xf32>
      %add3A_286 = arith.constant 64 : i32
      %add3A_287 = arith.addi %add3A_224, %add3A_286 : i32
      %add3A_288 = vector.broadcast %add3A_287 : i32 to vector<16xi32>
      %add3A_289 = arith.addi %iota3A, %add3A_288 : vector<16xi32>
      %gt3A_290 = arith.cmpf ogt, %get3A_285, %select_n3A_280 : vector<16xf32>
      %lt3A_291 = arith.constant 7056 : i32
      %lt3A_292 = vector.broadcast %lt3A_291 : i32 to vector<16xi32>
      %lt3A_293 = arith.cmpi slt, %add3A_289, %lt3A_292 : vector<16xi32>
      %and3A_294 = arith.andi %gt3A_290, %lt3A_293 : vector<16xi1>
      %select_n3A_295 = arith.select %and3A_294, %get3A_285, %select_n3A_280 : vector<16xi1>, vector<16xf32>
      %select_n3A_296 = arith.select %and3A_294, %add3A_289, %select_n3A_281 : vector<16xi1>, vector<16xi32>
      %get3A_297 = arith.index_cast %scan3A_214 : i32 to index
      %get3A_298 = arith.constant 68 : index
      %get3A_299 = tpu.vector_load %arg4[%get3A_297, %get3A_298] {strides = array<i32>} : memref<8x84xf32, #tpu.memory_space<vmem>>, vector<1x16xf32>,
      %get3A_300 = vector.shape_cast %get3A_299 : vector<1x16xf32> to vector<16xf32>
      %add3A_301 = arith.constant 68 : i32
      %add3A_302 = arith.addi %add3A_224, %add3A_301 : i32
      %add3A_303 = vector.broadcast %add3A_302 : i32 to vector<16xi32>
      %add3A_304 = arith.addi %iota3A, %add3A_303 : vector<16xi32>
      %gt3A_305 = arith.cmpf ogt, %get3A_300, %select_n3A_295 : vector<16xf32>
      %lt3A_306 = arith.constant 7056 : i32
      %lt3A_307 = vector.broadcast %lt3A_306 : i32 to vector<16xi32>
      %lt3A_308 = arith.cmpi slt, %add3A_304, %lt3A_307 : vector<16xi32>
      %and3A_309 = arith.andi %gt3A_305, %lt3A_308 : vector<16xi1>
      %select_n3A_310 = arith.select %and3A_309, %get3A_300, %select_n3A_295 : vector<16xi1>, vector<16xf32>
      %select_n3A_311 = arith.select %and3A_309, %add3A_304, %select_n3A_296 : vector<16xi1>, vector<16xi32>
      scf.yield %select_n3A_310, %select_n3A_311 : vector<16xf32>, vector<16xi32>
    }
    %scan3A_58 = arith.constant 8 : i32
    %iota3A_59 = tpu.iota {dimensions = array<i32: 0>} : vector<16xi32>
    %xor3A = arith.constant 8 : i32
    %xor3A_60 = vector.broadcast %xor3A : i32 to vector<16xi32>
    %xor3A_61 = arith.xori %iota3A_59, %xor3A_60 : vector<16xi32>
    %lt3A_62 = arith.constant 0 : i32
    %lt3A_63 = vector.broadcast %lt3A_62 : i32 to vector<16xi32>
    %lt3A_64 = arith.cmpi slt, %xor3A_61, %lt3A_63 : vector<16xi32>
    %add3A_65 = arith.constant 16 : i32
    %add3A_66 = vector.broadcast %add3A_65 : i32 to vector<16xi32>
    %add3A_67 = arith.addi %xor3A_61, %add3A_66 : vector<16xi32>
    %select_n3A = arith.select %lt3A_64, %add3A_67, %xor3A_61 : vector<16xi1>, vector<16xi32>
    %broadcast_in_dim3A_68 = vector.shape_cast %select_n3A : vector<16xi32> to vector<16x1xi32>
    %gather3A = vector.shape_cast %broadcast_in_dim3A_68 : vector<16x1xi32> to vector<16xi32>
    %gather3A_69 = tpu.dynamic_gather %scan3A_57#0[%gather3A] in [0] : vector<16xf32>, vector<16xi32> -> vector<16xf32>
    %max3A = arith.maximumf %scan3A_57#0, %gather3A_69 : vector<16xf32>
    %xor3A_70 = arith.constant 4 : i32
    %xor3A_71 = vector.broadcast %xor3A_70 : i32 to vector<16xi32>
    %xor3A_72 = arith.xori %iota3A_59, %xor3A_71 : vector<16xi32>
    %lt3A_73 = arith.constant 0 : i32
    %lt3A_74 = vector.broadcast %lt3A_73 : i32 to vector<16xi32>
    %lt3A_75 = arith.cmpi slt, %xor3A_72, %lt3A_74 : vector<16xi32>
    %add3A_76 = arith.constant 16 : i32
    %add3A_77 = vector.broadcast %add3A_76 : i32 to vector<16xi32>
    %add3A_78 = arith.addi %xor3A_72, %add3A_77 : vector<16xi32>
    %select_n3A_79 = arith.select %lt3A_75, %add3A_78, %xor3A_72 : vector<16xi1>, vector<16xi32>
    %broadcast_in_dim3A_80 = vector.shape_cast %select_n3A_79 : vector<16xi32> to vector<16x1xi32>
    %gather3A_81 = vector.shape_cast %broadcast_in_dim3A_80 : vector<16x1xi32> to vector<16xi32>
    %gather3A_82 = tpu.dynamic_gather %max3A[%gather3A_81] in [0] : vector<16xf32>, vector<16xi32> -> vector<16xf32>
    %max3A_83 = arith.maximumf %max3A, %gather3A_82 : vector<16xf32>
    %xor3A_84 = arith.constant 2 : i32
    %xor3A_85 = vector.broadcast %xor3A_84 : i32 to vector<16xi32>
    %xor3A_86 = arith.xori %iota3A_59, %xor3A_85 : vector<16xi32>
    %lt3A_87 = arith.constant 0 : i32
    %lt3A_88 = vector.broadcast %lt3A_87 : i32 to vector<16xi32>
    %lt3A_89 = arith.cmpi slt, %xor3A_86, %lt3A_88 : vector<16xi32>
    %add3A_90 = arith.constant 16 : i32
    %add3A_91 = vector.broadcast %add3A_90 : i32 to vector<16xi32>
    %add3A_92 = arith.addi %xor3A_86, %add3A_91 : vector<16xi32>
    %select_n3A_93 = arith.select %lt3A_89, %add3A_92, %xor3A_86 : vector<16xi1>, vector<16xi32>
    %broadcast_in_dim3A_94 = vector.shape_cast %select_n3A_93 : vector<16xi32> to vector<16x1xi32>
    %gather3A_95 = vector.shape_cast %broadcast_in_dim3A_94 : vector<16x1xi32> to vector<16xi32>
    %gather3A_96 = tpu.dynamic_gather %max3A_83[%gather3A_95] in [0] : vector<16xf32>, vector<16xi32> -> vector<16xf32>
    %max3A_97 = arith.maximumf %max3A_83, %gather3A_96 : vector<16xf32>
    %xor3A_98 = arith.constant 1 : i32
    %xor3A_99 = vector.broadcast %xor3A_98 : i32 to vector<16xi32>
    %xor3A_100 = arith.xori %iota3A_59, %xor3A_99 : vector<16xi32>
    %lt3A_101 = arith.constant 0 : i32
    %lt3A_102 = vector.broadcast %lt3A_101 : i32 to vector<16xi32>
    %lt3A_103 = arith.cmpi slt, %xor3A_100, %lt3A_102 : vector<16xi32>
    %add3A_104 = arith.constant 16 : i32
    %add3A_105 = vector.broadcast %add3A_104 : i32 to vector<16xi32>
    %add3A_106 = arith.addi %xor3A_100, %add3A_105 : vector<16xi32>
    %select_n3A_107 = arith.select %lt3A_103, %add3A_106, %xor3A_100 : vector<16xi1>, vector<16xi32>
    %broadcast_in_dim3A_108 = vector.shape_cast %select_n3A_107 : vector<16xi32> to vector<16x1xi32>
    %gather3A_109 = vector.shape_cast %broadcast_in_dim3A_108 : vector<16x1xi32> to vector<16xi32>
    %gather3A_110 = tpu.dynamic_gather %max3A_97[%gather3A_109] in [0] : vector<16xf32>, vector<16xi32> -> vector<16xf32>
    %max3A_111 = arith.maximumf %max3A_97, %gather3A_110 : vector<16xf32>
    %eq3A_112 = arith.cmpf oeq, %scan3A_57#0, %max3A_111 : vector<16xf32>
    %jit3A = arith.constant 7056 : i32
    %broadcast_in_dim3A_113 = vector.broadcast %jit3A : i32 to vector<16xi32>
    %select_n3A_114 = arith.select %eq3A_112, %scan3A_57#1, %broadcast_in_dim3A_113 : vector<16xi1>, vector<16xi32>
    %iota3A_115 = tpu.iota {dimensions = array<i32: 0>} : vector<16xi32>
    %xor3A_116 = arith.constant 8 : i32
    %xor3A_117 = vector.broadcast %xor3A_116 : i32 to vector<16xi32>
    %xor3A_118 = arith.xori %iota3A_115, %xor3A_117 : vector<16xi32>
    %lt3A_119 = arith.constant 0 : i32
    %lt3A_120 = vector.broadcast %lt3A_119 : i32 to vector<16xi32>
    %lt3A_121 = arith.cmpi slt, %xor3A_118, %lt3A_120 : vector<16xi32>
    %add3A_122 = arith.constant 16 : i32
    %add3A_123 = vector.broadcast %add3A_122 : i32 to vector<16xi32>
    %add3A_124 = arith.addi %xor3A_118, %add3A_123 : vector<16xi32>
    %select_n3A_125 = arith.select %lt3A_121, %add3A_124, %xor3A_118 : vector<16xi1>, vector<16xi32>
    %broadcast_in_dim3A_126 = vector.shape_cast %select_n3A_125 : vector<16xi32> to vector<16x1xi32>
    %gather3A_127 = vector.shape_cast %broadcast_in_dim3A_126 : vector<16x1xi32> to vector<16xi32>
    %gather3A_128 = tpu.dynamic_gather %select_n3A_114[%gather3A_127] in [0] : vector<16xi32>, vector<16xi32> -> vector<16xi32>
    %min3A = arith.minsi %select_n3A_114, %gather3A_128 : vector<16xi32>
    %xor3A_129 = arith.constant 4 : i32
    %xor3A_130 = vector.broadcast %xor3A_129 : i32 to vector<16xi32>
    %xor3A_131 = arith.xori %iota3A_115, %xor3A_130 : vector<16xi32>
    %lt3A_132 = arith.constant 0 : i32
    %lt3A_133 = vector.broadcast %lt3A_132 : i32 to vector<16xi32>
    %lt3A_134 = arith.cmpi slt, %xor3A_131, %lt3A_133 : vector<16xi32>
    %add3A_135 = arith.constant 16 : i32
    %add3A_136 = vector.broadcast %add3A_135 : i32 to vector<16xi32>
    %add3A_137 = arith.addi %xor3A_131, %add3A_136 : vector<16xi32>
    %select_n3A_138 = arith.select %lt3A_134, %add3A_137, %xor3A_131 : vector<16xi1>, vector<16xi32>
    %broadcast_in_dim3A_139 = vector.shape_cast %select_n3A_138 : vector<16xi32> to vector<16x1xi32>
    %gather3A_140 = vector.shape_cast %broadcast_in_dim3A_139 : vector<16x1xi32> to vector<16xi32>
    %gather3A_141 = tpu.dynamic_gather %min3A[%gather3A_140] in [0] : vector<16xi32>, vector<16xi32> -> vector<16xi32>
    %min3A_142 = arith.minsi %min3A, %gather3A_141 : vector<16xi32>
    %xor3A_143 = arith.constant 2 : i32
    %xor3A_144 = vector.broadcast %xor3A_143 : i32 to vector<16xi32>
    %xor3A_145 = arith.xori %iota3A_115, %xor3A_144 : vector<16xi32>
    %lt3A_146 = arith.constant 0 : i32
    %lt3A_147 = vector.broadcast %lt3A_146 : i32 to vector<16xi32>
    %lt3A_148 = arith.cmpi slt, %xor3A_145, %lt3A_147 : vector<16xi32>
    %add3A_149 = arith.constant 16 : i32
    %add3A_150 = vector.broadcast %add3A_149 : i32 to vector<16xi32>
    %add3A_151 = arith.addi %xor3A_145, %add3A_150 : vector<16xi32>
    %select_n3A_152 = arith.select %lt3A_148, %add3A_151, %xor3A_145 : vector<16xi1>, vector<16xi32>
    %broadcast_in_dim3A_153 = vector.shape_cast %select_n3A_152 : vector<16xi32> to vector<16x1xi32>
    %gather3A_154 = vector.shape_cast %broadcast_in_dim3A_153 : vector<16x1xi32> to vector<16xi32>
    %gather3A_155 = tpu.dynamic_gather %min3A_142[%gather3A_154] in [0] : vector<16xi32>, vector<16xi32> -> vector<16xi32>
    %min3A_156 = arith.minsi %min3A_142, %gather3A_155 : vector<16xi32>
    %xor3A_157 = arith.constant 1 : i32
    %xor3A_158 = vector.broadcast %xor3A_157 : i32 to vector<16xi32>
    %xor3A_159 = arith.xori %iota3A_115, %xor3A_158 : vector<16xi32>
    %lt3A_160 = arith.constant 0 : i32
    %lt3A_161 = vector.broadcast %lt3A_160 : i32 to vector<16xi32>
    %lt3A_162 = arith.cmpi slt, %xor3A_159, %lt3A_161 : vector<16xi32>
    %add3A_163 = arith.constant 16 : i32
    %add3A_164 = vector.broadcast %add3A_163 : i32 to vector<16xi32>
    %add3A_165 = arith.addi %xor3A_159, %add3A_164 : vector<16xi32>
    %select_n3A_166 = arith.select %lt3A_162, %add3A_165, %xor3A_159 : vector<16xi1>, vector<16xi32>
    %broadcast_in_dim3A_167 = vector.shape_cast %select_n3A_166 : vector<16xi32> to vector<16x1xi32>
    %gather3A_168 = vector.shape_cast %broadcast_in_dim3A_167 : vector<16x1xi32> to vector<16xi32>
    %gather3A_169 = tpu.dynamic_gather %min3A_156[%gather3A_168] in [0] : vector<16xi32>, vector<16xi32> -> vector<16xi32>
    %min3A_170 = arith.minsi %min3A_156, %gather3A_169 : vector<16xi32>
    %swap3A = arith.constant 0 : i32
    %swap3A_171 = arith.index_cast %swap3A : i32 to index
    %swap3A_172 = arith.constant 0 : index
    %swap3A_173 = tpu.vector_load %arg6[%swap3A_171, %swap3A_172] {strides = array<i32>} : memref<2x16xf32, #tpu.memory_space<vmem>>, vector<1x16xf32>,
    %swap3A_174 = vector.shape_cast %swap3A_173 : vector<1x16xf32> to vector<16xf32>
    %swap3A_175 = vector.shape_cast %max3A_111 : vector<16xf32> to vector<1x16xf32>
    tpu.vector_store %arg6[%swap3A_171, %swap3A_172], %swap3A_175 {strides = array<i32>} : memref<2x16xf32, #tpu.memory_space<vmem>>, vector<1x16xf32>,
    %convert_element_type3A_176 = arith.sitofp %min3A_170 : vector<16xi32> to vector<16xf32>
    %swap3A_177 = arith.constant 1 : i32
    %swap3A_178 = arith.index_cast %swap3A_177 : i32 to index
    %swap3A_179 = arith.constant 0 : index
    %swap3A_180 = tpu.vector_load %arg6[%swap3A_178, %swap3A_179] {strides = array<i32>} : memref<2x16xf32, #tpu.memory_space<vmem>>, vector<1x16xf32>,
    %swap3A_181 = vector.shape_cast %swap3A_180 : vector<1x16xf32> to vector<16xf32>
    %swap3A_182 = vector.shape_cast %convert_element_type3A_176 : vector<16xf32> to vector<1x16xf32>
    tpu.vector_store %arg6[%swap3A_178, %swap3A_179], %swap3A_182 {strides = array<i32>} : memref<2x16xf32, #tpu.memory_space<vmem>>, vector<1x16xf32>,
    %dma_start3A_183 = arith.constant 0 : i32
    %dma_start3A_184 = arith.constant 0 : i32
    %dma_start3A_185 = tpu.memref_slice %arg9[%arg1, %dma_start3A_183, %dma_start3A_184] : memref<16x2x16xf32, #tpu.memory_space<hbm>> -> memref<1x2x16xf32, #tpu.memory_space<hbm>>
    %dma_start3A_186 = tpu.memref_squeeze %dma_start3A_185 : memref<1x2x16xf32, #tpu.memory_space<hbm>> -> memref<2x16xf32, #tpu.memory_space<hbm>>
    %dma_start3A_187 = arith.constant 0 : i32
    %dma_start3A_188 = arith.constant 0 : i32
    %dma_start3A_189 = tpu.memref_slice %arg9[%arg1, %dma_start3A_187, %dma_start3A_188] : memref<16x2x16xf32, #tpu.memory_space<hbm>> -> memref<1x2x16xf32, #tpu.memory_space<hbm>>
    %dma_start3A_190 = tpu.memref_squeeze %dma_start3A_189 : memref<1x2x16xf32, #tpu.memory_space<hbm>> -> memref<2x16xf32, #tpu.memory_space<hbm>>
    tpu.enqueue_dma source(%arg6 : memref<2x16xf32, #tpu.memory_space<vmem>>) target(%dma_start3A_190 : memref<2x16xf32, #tpu.memory_space<hbm>>) target_semaphore(%arg12 : memref<!tpu.dma_semaphore, #tpu.memory_space<semaphore_mem>>)
    %not3A_191 = arith.constant true
    %not3A_192 = arith.xori %eq3A_0, %not3A_191 : i1
    %convert_element_type3A_193 = arith.extui %not3A_192 : i1 to i32
    %cond3A_194 = arith.constant 0 : i32
    %cond3A_195 = arith.constant 0 : i32
    %cond3A_196 = arith.cmpi ne, %convert_element_type3A_193, %cond3A_195 : i32
    scf.if %cond3A_196 {
      %dma_wait3A_214 = tpu.memref_slice %arg3[%cond3A_194, %mul3A_3] : memref<1x7056xf32, #tpu.memory_space<hbm>> -> memref<1x448xf32, #tpu.memory_space<hbm>>
      %dma_wait3A_215 = tpu.memref_squeeze %dma_wait3A_214 : memref<1x448xf32, #tpu.memory_space<hbm>> -> memref<448xf32, #tpu.memory_space<hbm>>
      %dma_wait3A_216 = tpu.memref_slice %arg3[%cond3A_194, %mul3A_3] : memref<1x7056xf32, #tpu.memory_space<hbm>> -> memref<1x448xf32, #tpu.memory_space<hbm>>
      %dma_wait3A_217 = tpu.memref_squeeze %dma_wait3A_216 : memref<1x448xf32, #tpu.memory_space<hbm>> -> memref<448xf32, #tpu.memory_space<hbm>>
      tpu.wait_dma2 semaphore(%arg11 : memref<!tpu.dma_semaphore, #tpu.memory_space<semaphore_mem>>) src(%arg5 : memref<448xf32, #tpu.memory_space<vmem>>) dst(%dma_wait3A_217 : memref<448xf32, #tpu.memory_space<hbm>>)
    } else {
    }
    %convert_element_type3A_197 = arith.extui %eq3A_0 : i1 to i32
    %cond3A_198 = arith.constant 0 : i32
    %cond3A_199 = arith.constant 0 : i32
    %cond3A_200 = arith.cmpi ne, %convert_element_type3A_197, %cond3A_199 : i32
    scf.if %cond3A_200 {
      %dma_wait3A_214 = arith.constant 0 : i32
      %dma_wait3A_215 = tpu.memref_slice %arg5[%dma_wait3A_214] : memref<448xf32, #tpu.memory_space<vmem>> -> memref<336xf32, #tpu.memory_space<vmem>>
      %dma_wait3A_216 = tpu.memref_slice %arg3[%cond3A_198, %mul3A_3] : memref<1x7056xf32, #tpu.memory_space<hbm>> -> memref<1x336xf32, #tpu.memory_space<hbm>>
      %dma_wait3A_217 = tpu.memref_squeeze %dma_wait3A_216 : memref<1x336xf32, #tpu.memory_space<hbm>> -> memref<336xf32, #tpu.memory_space<hbm>>
      %dma_wait3A_218 = tpu.memref_slice %arg3[%cond3A_198, %mul3A_3] : memref<1x7056xf32, #tpu.memory_space<hbm>> -> memref<1x336xf32, #tpu.memory_space<hbm>>
      %dma_wait3A_219 = tpu.memref_squeeze %dma_wait3A_218 : memref<1x336xf32, #tpu.memory_space<hbm>> -> memref<336xf32, #tpu.memory_space<hbm>>
      %dma_wait3A_220 = arith.constant 0 : i32
      %dma_wait3A_221 = tpu.memref_slice %arg5[%dma_wait3A_220] : memref<448xf32, #tpu.memory_space<vmem>> -> memref<336xf32, #tpu.memory_space<vmem>>
      tpu.wait_dma2 semaphore(%arg11 : memref<!tpu.dma_semaphore, #tpu.memory_space<semaphore_mem>>) src(%dma_wait3A_221 : memref<336xf32, #tpu.memory_space<vmem>>) dst(%dma_wait3A_219 : memref<336xf32, #tpu.memory_space<hbm>>)
    } else {
    }
    %dma_wait3A_201 = arith.constant 0 : i32
    %dma_wait3A_202 = arith.constant 0 : i32
    %dma_wait3A_203 = tpu.memref_slice %arg9[%arg1, %dma_wait3A_201, %dma_wait3A_202] : memref<16x2x16xf32, #tpu.memory_space<hbm>> -> memref<1x2x16xf32, #tpu.memory_space<hbm>>
    %dma_wait3A_204 = tpu.memref_squeeze %dma_wait3A_203 : memref<1x2x16xf32, #tpu.memory_space<hbm>> -> memref<2x16xf32, #tpu.memory_space<hbm>>
    %dma_wait3A_205 = arith.constant 0 : i32
    %dma_wait3A_206 = arith.constant 0 : i32
    %dma_wait3A_207 = tpu.memref_slice %arg9[%arg1, %dma_wait3A_205, %dma_wait3A_206] : memref<16x2x16xf32, #tpu.memory_space<hbm>> -> memref<1x2x16xf32, #tpu.memory_space<hbm>>
    %dma_wait3A_208 = tpu.memref_squeeze %dma_wait3A_207 : memref<1x2x16xf32, #tpu.memory_space<hbm>> -> memref<2x16xf32, #tpu.memory_space<hbm>>
    tpu.wait_dma2 semaphore(%arg12 : memref<!tpu.dma_semaphore, #tpu.memory_space<semaphore_mem>>) src(%arg6 : memref<2x16xf32, #tpu.memory_space<vmem>>) dst(%dma_wait3A_208 : memref<2x16xf32, #tpu.memory_space<hbm>>)
    %barrier3A = arith.constant 0 : index
    tpu.barrier barrier_id(%barrier3A)
    %eq3A_209 = arith.constant 0 : i32
    %eq3A_210 = arith.cmpi eq, %arg1, %eq3A_209 : i32
    %convert_element_type3A_211 = arith.extui %eq3A_210 : i1 to i32
    %cond3A_212 = arith.constant 0 : i32
    %cond3A_213 = arith.cmpi ne, %convert_element_type3A_211, %cond3A_212 : i32
    scf.if %cond3A_213 {
      "tpu.region"() ({
        %run_scoped3A_677 = tpu.sem_alloc : memref<!tpu.dma_semaphore, #tpu.memory_space<semaphore_mem>>
        tpu.enqueue_dma source(%arg9 : memref<16x2x16xf32, #tpu.memory_space<hbm>>) target(%arg7 : memref<16x2x16xf32, #tpu.memory_space<vmem>>) target_semaphore(%run_scoped3A_677 : memref<!tpu.dma_semaphore, #tpu.memory_space<semaphore_mem>>)
        tpu.wait_dma2 semaphore(%run_scoped3A_677 : memref<!tpu.dma_semaphore, #tpu.memory_space<semaphore_mem>>) src(%arg9 : memref<16x2x16xf32, #tpu.memory_space<hbm>>) dst(%arg7 : memref<16x2x16xf32, #tpu.memory_space<vmem>>)
        tpu.yield
      }) : () -> ()
      %get3A = arith.constant 0 : i32
      %get3A_214 = arith.constant 0 : i32
      %get3A_215 = arith.index_cast %get3A : i32 to index
      %get3A_216 = arith.index_cast %get3A_214 : i32 to index
      %get3A_217 = arith.constant 0 : index
      %get3A_218 = tpu.vector_load %arg7[%get3A_215, %get3A_216, %get3A_217] {strides = array<i32>} : memref<16x2x16xf32, #tpu.memory_space<vmem>>, vector<1x1x16xf32>,
      %get3A_219 = vector.shape_cast %get3A_218 : vector<1x1x16xf32> to vector<16xf32>
      %get3A_220 = arith.constant 1 : i32
      %get3A_221 = arith.constant 0 : i32
      %get3A_222 = arith.index_cast %get3A_220 : i32 to index
      %get3A_223 = arith.index_cast %get3A_221 : i32 to index
      %get3A_224 = arith.constant 0 : index
      %get3A_225 = tpu.vector_load %arg7[%get3A_222, %get3A_223, %get3A_224] {strides = array<i32>} : memref<16x2x16xf32, #tpu.memory_space<vmem>>, vector<1x1x16xf32>,
      %get3A_226 = vector.shape_cast %get3A_225 : vector<1x1x16xf32> to vector<16xf32>
      %max3A_227 = arith.maximumf %get3A_219, %get3A_226 : vector<16xf32>
      %get3A_228 = arith.constant 2 : i32
      %get3A_229 = arith.constant 0 : i32
      %get3A_230 = arith.index_cast %get3A_228 : i32 to index
      %get3A_231 = arith.index_cast %get3A_229 : i32 to index
      %get3A_232 = arith.constant 0 : index
      %get3A_233 = tpu.vector_load %arg7[%get3A_230, %get3A_231, %get3A_232] {strides = array<i32>} : memref<16x2x16xf32, #tpu.memory_space<vmem>>, vector<1x1x16xf32>,
      %get3A_234 = vector.shape_cast %get3A_233 : vector<1x1x16xf32> to vector<16xf32>
      %max3A_235 = arith.maximumf %max3A_227, %get3A_234 : vector<16xf32>
      %get3A_236 = arith.constant 3 : i32
      %get3A_237 = arith.constant 0 : i32
      %get3A_238 = arith.index_cast %get3A_236 : i32 to index
      %get3A_239 = arith.index_cast %get3A_237 : i32 to index
      %get3A_240 = arith.constant 0 : index
      %get3A_241 = tpu.vector_load %arg7[%get3A_238, %get3A_239, %get3A_240] {strides = array<i32>} : memref<16x2x16xf32, #tpu.memory_space<vmem>>, vector<1x1x16xf32>,
      %get3A_242 = vector.shape_cast %get3A_241 : vector<1x1x16xf32> to vector<16xf32>
      %max3A_243 = arith.maximumf %max3A_235, %get3A_242 : vector<16xf32>
      %get3A_244 = arith.constant 4 : i32
      %get3A_245 = arith.constant 0 : i32
      %get3A_246 = arith.index_cast %get3A_244 : i32 to index
      %get3A_247 = arith.index_cast %get3A_245 : i32 to index
      %get3A_248 = arith.constant 0 : index
      %get3A_249 = tpu.vector_load %arg7[%get3A_246, %get3A_247, %get3A_248] {strides = array<i32>} : memref<16x2x16xf32, #tpu.memory_space<vmem>>, vector<1x1x16xf32>,
      %get3A_250 = vector.shape_cast %get3A_249 : vector<1x1x16xf32> to vector<16xf32>
      %max3A_251 = arith.maximumf %max3A_243, %get3A_250 : vector<16xf32>
      %get3A_252 = arith.constant 5 : i32
      %get3A_253 = arith.constant 0 : i32
      %get3A_254 = arith.index_cast %get3A_252 : i32 to index
      %get3A_255 = arith.index_cast %get3A_253 : i32 to index
      %get3A_256 = arith.constant 0 : index
      %get3A_257 = tpu.vector_load %arg7[%get3A_254, %get3A_255, %get3A_256] {strides = array<i32>} : memref<16x2x16xf32, #tpu.memory_space<vmem>>, vector<1x1x16xf32>,
      %get3A_258 = vector.shape_cast %get3A_257 : vector<1x1x16xf32> to vector<16xf32>
      %max3A_259 = arith.maximumf %max3A_251, %get3A_258 : vector<16xf32>
      %get3A_260 = arith.constant 6 : i32
      %get3A_261 = arith.constant 0 : i32
      %get3A_262 = arith.index_cast %get3A_260 : i32 to index
      %get3A_263 = arith.index_cast %get3A_261 : i32 to index
      %get3A_264 = arith.constant 0 : index
      %get3A_265 = tpu.vector_load %arg7[%get3A_262, %get3A_263, %get3A_264] {strides = array<i32>} : memref<16x2x16xf32, #tpu.memory_space<vmem>>, vector<1x1x16xf32>,
      %get3A_266 = vector.shape_cast %get3A_265 : vector<1x1x16xf32> to vector<16xf32>
      %max3A_267 = arith.maximumf %max3A_259, %get3A_266 : vector<16xf32>
      %get3A_268 = arith.constant 7 : i32
      %get3A_269 = arith.constant 0 : i32
      %get3A_270 = arith.index_cast %get3A_268 : i32 to index
      %get3A_271 = arith.index_cast %get3A_269 : i32 to index
      %get3A_272 = arith.constant 0 : index
      %get3A_273 = tpu.vector_load %arg7[%get3A_270, %get3A_271, %get3A_272] {strides = array<i32>} : memref<16x2x16xf32, #tpu.memory_space<vmem>>, vector<1x1x16xf32>,
      %get3A_274 = vector.shape_cast %get3A_273 : vector<1x1x16xf32> to vector<16xf32>
      %max3A_275 = arith.maximumf %max3A_267, %get3A_274 : vector<16xf32>
      %get3A_276 = arith.constant 8 : i32
      %get3A_277 = arith.constant 0 : i32
      %get3A_278 = arith.index_cast %get3A_276 : i32 to index
      %get3A_279 = arith.index_cast %get3A_277 : i32 to index
      %get3A_280 = arith.constant 0 : index
      %get3A_281 = tpu.vector_load %arg7[%get3A_278, %get3A_279, %get3A_280] {strides = array<i32>} : memref<16x2x16xf32, #tpu.memory_space<vmem>>, vector<1x1x16xf32>,
      %get3A_282 = vector.shape_cast %get3A_281 : vector<1x1x16xf32> to vector<16xf32>
      %max3A_283 = arith.maximumf %max3A_275, %get3A_282 : vector<16xf32>
      %get3A_284 = arith.constant 9 : i32
      %get3A_285 = arith.constant 0 : i32
      %get3A_286 = arith.index_cast %get3A_284 : i32 to index
      %get3A_287 = arith.index_cast %get3A_285 : i32 to index
      %get3A_288 = arith.constant 0 : index
      %get3A_289 = tpu.vector_load %arg7[%get3A_286, %get3A_287, %get3A_288] {strides = array<i32>} : memref<16x2x16xf32, #tpu.memory_space<vmem>>, vector<1x1x16xf32>,
      %get3A_290 = vector.shape_cast %get3A_289 : vector<1x1x16xf32> to vector<16xf32>
      %max3A_291 = arith.maximumf %max3A_283, %get3A_290 : vector<16xf32>
      %get3A_292 = arith.constant 10 : i32
      %get3A_293 = arith.constant 0 : i32
      %get3A_294 = arith.index_cast %get3A_292 : i32 to index
      %get3A_295 = arith.index_cast %get3A_293 : i32 to index
      %get3A_296 = arith.constant 0 : index
      %get3A_297 = tpu.vector_load %arg7[%get3A_294, %get3A_295, %get3A_296] {strides = array<i32>} : memref<16x2x16xf32, #tpu.memory_space<vmem>>, vector<1x1x16xf32>,
      %get3A_298 = vector.shape_cast %get3A_297 : vector<1x1x16xf32> to vector<16xf32>
      %max3A_299 = arith.maximumf %max3A_291, %get3A_298 : vector<16xf32>
      %get3A_300 = arith.constant 11 : i32
      %get3A_301 = arith.constant 0 : i32
      %get3A_302 = arith.index_cast %get3A_300 : i32 to index
      %get3A_303 = arith.index_cast %get3A_301 : i32 to index
      %get3A_304 = arith.constant 0 : index
      %get3A_305 = tpu.vector_load %arg7[%get3A_302, %get3A_303, %get3A_304] {strides = array<i32>} : memref<16x2x16xf32, #tpu.memory_space<vmem>>, vector<1x1x16xf32>,
      %get3A_306 = vector.shape_cast %get3A_305 : vector<1x1x16xf32> to vector<16xf32>
      %max3A_307 = arith.maximumf %max3A_299, %get3A_306 : vector<16xf32>
      %get3A_308 = arith.constant 12 : i32
      %get3A_309 = arith.constant 0 : i32
      %get3A_310 = arith.index_cast %get3A_308 : i32 to index
      %get3A_311 = arith.index_cast %get3A_309 : i32 to index
      %get3A_312 = arith.constant 0 : index
      %get3A_313 = tpu.vector_load %arg7[%get3A_310, %get3A_311, %get3A_312] {strides = array<i32>} : memref<16x2x16xf32, #tpu.memory_space<vmem>>, vector<1x1x16xf32>,
      %get3A_314 = vector.shape_cast %get3A_313 : vector<1x1x16xf32> to vector<16xf32>
      %max3A_315 = arith.maximumf %max3A_307, %get3A_314 : vector<16xf32>
      %get3A_316 = arith.constant 13 : i32
      %get3A_317 = arith.constant 0 : i32
      %get3A_318 = arith.index_cast %get3A_316 : i32 to index
      %get3A_319 = arith.index_cast %get3A_317 : i32 to index
      %get3A_320 = arith.constant 0 : index
      %get3A_321 = tpu.vector_load %arg7[%get3A_318, %get3A_319, %get3A_320] {strides = array<i32>} : memref<16x2x16xf32, #tpu.memory_space<vmem>>, vector<1x1x16xf32>,
      %get3A_322 = vector.shape_cast %get3A_321 : vector<1x1x16xf32> to vector<16xf32>
      %max3A_323 = arith.maximumf %max3A_315, %get3A_322 : vector<16xf32>
      %get3A_324 = arith.constant 14 : i32
      %get3A_325 = arith.constant 0 : i32
      %get3A_326 = arith.index_cast %get3A_324 : i32 to index
      %get3A_327 = arith.index_cast %get3A_325 : i32 to index
      %get3A_328 = arith.constant 0 : index
      %get3A_329 = tpu.vector_load %arg7[%get3A_326, %get3A_327, %get3A_328] {strides = array<i32>} : memref<16x2x16xf32, #tpu.memory_space<vmem>>, vector<1x1x16xf32>,
      %get3A_330 = vector.shape_cast %get3A_329 : vector<1x1x16xf32> to vector<16xf32>
      %max3A_331 = arith.maximumf %max3A_323, %get3A_330 : vector<16xf32>
      %get3A_332 = arith.constant 15 : i32
      %get3A_333 = arith.constant 0 : i32
      %get3A_334 = arith.index_cast %get3A_332 : i32 to index
      %get3A_335 = arith.index_cast %get3A_333 : i32 to index
      %get3A_336 = arith.constant 0 : index
      %get3A_337 = tpu.vector_load %arg7[%get3A_334, %get3A_335, %get3A_336] {strides = array<i32>} : memref<16x2x16xf32, #tpu.memory_space<vmem>>, vector<1x1x16xf32>,
      %get3A_338 = vector.shape_cast %get3A_337 : vector<1x1x16xf32> to vector<16xf32>
      %max3A_339 = arith.maximumf %max3A_331, %get3A_338 : vector<16xf32>
      %get3A_340 = arith.constant 0 : i32
      %get3A_341 = arith.constant 0 : i32
      %get3A_342 = arith.index_cast %get3A_340 : i32 to index
      %get3A_343 = arith.index_cast %get3A_341 : i32 to index
      %get3A_344 = arith.constant 0 : index
      %get3A_345 = tpu.vector_load %arg7[%get3A_342, %get3A_343, %get3A_344] {strides = array<i32>} : memref<16x2x16xf32, #tpu.memory_space<vmem>>, vector<1x1x16xf32>,
      %get3A_346 = vector.shape_cast %get3A_345 : vector<1x1x16xf32> to vector<16xf32>
      %eq3A_347 = arith.cmpf oeq, %get3A_346, %max3A_339 : vector<16xf32>
      %get3A_348 = arith.constant 0 : i32
      %get3A_349 = arith.constant 1 : i32
      %get3A_350 = arith.index_cast %get3A_348 : i32 to index
      %get3A_351 = arith.index_cast %get3A_349 : i32 to index
      %get3A_352 = arith.constant 0 : index
      %get3A_353 = tpu.vector_load %arg7[%get3A_350, %get3A_351, %get3A_352] {strides = array<i32>} : memref<16x2x16xf32, #tpu.memory_space<vmem>>, vector<1x1x16xf32>,
      %get3A_354 = vector.shape_cast %get3A_353 : vector<1x1x16xf32> to vector<16xf32>
      %jit3A_355 = arith.constant 7.056000e+03 : f32
      %broadcast_in_dim3A_356 = vector.broadcast %jit3A_355 : f32 to vector<16xf32>
      %select_n3A_357 = arith.select %eq3A_347, %get3A_354, %broadcast_in_dim3A_356 : vector<16xi1>, vector<16xf32>
      %get3A_358 = arith.constant 1 : i32
      %get3A_359 = arith.constant 0 : i32
      %get3A_360 = arith.index_cast %get3A_358 : i32 to index
      %get3A_361 = arith.index_cast %get3A_359 : i32 to index
      %get3A_362 = arith.constant 0 : index
      %get3A_363 = tpu.vector_load %arg7[%get3A_360, %get3A_361, %get3A_362] {strides = array<i32>} : memref<16x2x16xf32, #tpu.memory_space<vmem>>, vector<1x1x16xf32>,
      %get3A_364 = vector.shape_cast %get3A_363 : vector<1x1x16xf32> to vector<16xf32>
      %eq3A_365 = arith.cmpf oeq, %get3A_364, %max3A_339 : vector<16xf32>
      %get3A_366 = arith.constant 1 : i32
      %get3A_367 = arith.constant 1 : i32
      %get3A_368 = arith.index_cast %get3A_366 : i32 to index
      %get3A_369 = arith.index_cast %get3A_367 : i32 to index
      %get3A_370 = arith.constant 0 : index
      %get3A_371 = tpu.vector_load %arg7[%get3A_368, %get3A_369, %get3A_370] {strides = array<i32>} : memref<16x2x16xf32, #tpu.memory_space<vmem>>, vector<1x1x16xf32>,
      %get3A_372 = vector.shape_cast %get3A_371 : vector<1x1x16xf32> to vector<16xf32>
      %jit3A_373 = arith.constant 7.056000e+03 : f32
      %broadcast_in_dim3A_374 = vector.broadcast %jit3A_373 : f32 to vector<16xf32>
      %select_n3A_375 = arith.select %eq3A_365, %get3A_372, %broadcast_in_dim3A_374 : vector<16xi1>, vector<16xf32>
      %min3A_376 = arith.minimumf %select_n3A_357, %select_n3A_375 : vector<16xf32>
      %get3A_377 = arith.constant 2 : i32
      %get3A_378 = arith.constant 0 : i32
      %get3A_379 = arith.index_cast %get3A_377 : i32 to index
      %get3A_380 = arith.index_cast %get3A_378 : i32 to index
      %get3A_381 = arith.constant 0 : index
      %get3A_382 = tpu.vector_load %arg7[%get3A_379, %get3A_380, %get3A_381] {strides = array<i32>} : memref<16x2x16xf32, #tpu.memory_space<vmem>>, vector<1x1x16xf32>,
      %get3A_383 = vector.shape_cast %get3A_382 : vector<1x1x16xf32> to vector<16xf32>
      %eq3A_384 = arith.cmpf oeq, %get3A_383, %max3A_339 : vector<16xf32>
      %get3A_385 = arith.constant 2 : i32
      %get3A_386 = arith.constant 1 : i32
      %get3A_387 = arith.index_cast %get3A_385 : i32 to index
      %get3A_388 = arith.index_cast %get3A_386 : i32 to index
      %get3A_389 = arith.constant 0 : index
      %get3A_390 = tpu.vector_load %arg7[%get3A_387, %get3A_388, %get3A_389] {strides = array<i32>} : memref<16x2x16xf32, #tpu.memory_space<vmem>>, vector<1x1x16xf32>,
      %get3A_391 = vector.shape_cast %get3A_390 : vector<1x1x16xf32> to vector<16xf32>
      %jit3A_392 = arith.constant 7.056000e+03 : f32
      %broadcast_in_dim3A_393 = vector.broadcast %jit3A_392 : f32 to vector<16xf32>
      %select_n3A_394 = arith.select %eq3A_384, %get3A_391, %broadcast_in_dim3A_393 : vector<16xi1>, vector<16xf32>
      %min3A_395 = arith.minimumf %min3A_376, %select_n3A_394 : vector<16xf32>
      %get3A_396 = arith.constant 3 : i32
      %get3A_397 = arith.constant 0 : i32
      %get3A_398 = arith.index_cast %get3A_396 : i32 to index
      %get3A_399 = arith.index_cast %get3A_397 : i32 to index
      %get3A_400 = arith.constant 0 : index
      %get3A_401 = tpu.vector_load %arg7[%get3A_398, %get3A_399, %get3A_400] {strides = array<i32>} : memref<16x2x16xf32, #tpu.memory_space<vmem>>, vector<1x1x16xf32>,
      %get3A_402 = vector.shape_cast %get3A_401 : vector<1x1x16xf32> to vector<16xf32>
      %eq3A_403 = arith.cmpf oeq, %get3A_402, %max3A_339 : vector<16xf32>
      %get3A_404 = arith.constant 3 : i32
      %get3A_405 = arith.constant 1 : i32
      %get3A_406 = arith.index_cast %get3A_404 : i32 to index
      %get3A_407 = arith.index_cast %get3A_405 : i32 to index
      %get3A_408 = arith.constant 0 : index
      %get3A_409 = tpu.vector_load %arg7[%get3A_406, %get3A_407, %get3A_408] {strides = array<i32>} : memref<16x2x16xf32, #tpu.memory_space<vmem>>, vector<1x1x16xf32>,
      %get3A_410 = vector.shape_cast %get3A_409 : vector<1x1x16xf32> to vector<16xf32>
      %jit3A_411 = arith.constant 7.056000e+03 : f32
      %broadcast_in_dim3A_412 = vector.broadcast %jit3A_411 : f32 to vector<16xf32>
      %select_n3A_413 = arith.select %eq3A_403, %get3A_410, %broadcast_in_dim3A_412 : vector<16xi1>, vector<16xf32>
      %min3A_414 = arith.minimumf %min3A_395, %select_n3A_413 : vector<16xf32>
      %get3A_415 = arith.constant 4 : i32
      %get3A_416 = arith.constant 0 : i32
      %get3A_417 = arith.index_cast %get3A_415 : i32 to index
      %get3A_418 = arith.index_cast %get3A_416 : i32 to index
      %get3A_419 = arith.constant 0 : index
      %get3A_420 = tpu.vector_load %arg7[%get3A_417, %get3A_418, %get3A_419] {strides = array<i32>} : memref<16x2x16xf32, #tpu.memory_space<vmem>>, vector<1x1x16xf32>,
      %get3A_421 = vector.shape_cast %get3A_420 : vector<1x1x16xf32> to vector<16xf32>
      %eq3A_422 = arith.cmpf oeq, %get3A_421, %max3A_339 : vector<16xf32>
      %get3A_423 = arith.constant 4 : i32
      %get3A_424 = arith.constant 1 : i32
      %get3A_425 = arith.index_cast %get3A_423 : i32 to index
      %get3A_426 = arith.index_cast %get3A_424 : i32 to index
      %get3A_427 = arith.constant 0 : index
      %get3A_428 = tpu.vector_load %arg7[%get3A_425, %get3A_426, %get3A_427] {strides = array<i32>} : memref<16x2x16xf32, #tpu.memory_space<vmem>>, vector<1x1x16xf32>,
      %get3A_429 = vector.shape_cast %get3A_428 : vector<1x1x16xf32> to vector<16xf32>
      %jit3A_430 = arith.constant 7.056000e+03 : f32
      %broadcast_in_dim3A_431 = vector.broadcast %jit3A_430 : f32 to vector<16xf32>
      %select_n3A_432 = arith.select %eq3A_422, %get3A_429, %broadcast_in_dim3A_431 : vector<16xi1>, vector<16xf32>
      %min3A_433 = arith.minimumf %min3A_414, %select_n3A_432 : vector<16xf32>
      %get3A_434 = arith.constant 5 : i32
      %get3A_435 = arith.constant 0 : i32
      %get3A_436 = arith.index_cast %get3A_434 : i32 to index
      %get3A_437 = arith.index_cast %get3A_435 : i32 to index
      %get3A_438 = arith.constant 0 : index
      %get3A_439 = tpu.vector_load %arg7[%get3A_436, %get3A_437, %get3A_438] {strides = array<i32>} : memref<16x2x16xf32, #tpu.memory_space<vmem>>, vector<1x1x16xf32>,
      %get3A_440 = vector.shape_cast %get3A_439 : vector<1x1x16xf32> to vector<16xf32>
      %eq3A_441 = arith.cmpf oeq, %get3A_440, %max3A_339 : vector<16xf32>
      %get3A_442 = arith.constant 5 : i32
      %get3A_443 = arith.constant 1 : i32
      %get3A_444 = arith.index_cast %get3A_442 : i32 to index
      %get3A_445 = arith.index_cast %get3A_443 : i32 to index
      %get3A_446 = arith.constant 0 : index
      %get3A_447 = tpu.vector_load %arg7[%get3A_444, %get3A_445, %get3A_446] {strides = array<i32>} : memref<16x2x16xf32, #tpu.memory_space<vmem>>, vector<1x1x16xf32>,
      %get3A_448 = vector.shape_cast %get3A_447 : vector<1x1x16xf32> to vector<16xf32>
      %jit3A_449 = arith.constant 7.056000e+03 : f32
      %broadcast_in_dim3A_450 = vector.broadcast %jit3A_449 : f32 to vector<16xf32>
      %select_n3A_451 = arith.select %eq3A_441, %get3A_448, %broadcast_in_dim3A_450 : vector<16xi1>, vector<16xf32>
      %min3A_452 = arith.minimumf %min3A_433, %select_n3A_451 : vector<16xf32>
      %get3A_453 = arith.constant 6 : i32
      %get3A_454 = arith.constant 0 : i32
      %get3A_455 = arith.index_cast %get3A_453 : i32 to index
      %get3A_456 = arith.index_cast %get3A_454 : i32 to index
      %get3A_457 = arith.constant 0 : index
      %get3A_458 = tpu.vector_load %arg7[%get3A_455, %get3A_456, %get3A_457] {strides = array<i32>} : memref<16x2x16xf32, #tpu.memory_space<vmem>>, vector<1x1x16xf32>,
      %get3A_459 = vector.shape_cast %get3A_458 : vector<1x1x16xf32> to vector<16xf32>
      %eq3A_460 = arith.cmpf oeq, %get3A_459, %max3A_339 : vector<16xf32>
      %get3A_461 = arith.constant 6 : i32
      %get3A_462 = arith.constant 1 : i32
      %get3A_463 = arith.index_cast %get3A_461 : i32 to index
      %get3A_464 = arith.index_cast %get3A_462 : i32 to index
      %get3A_465 = arith.constant 0 : index
      %get3A_466 = tpu.vector_load %arg7[%get3A_463, %get3A_464, %get3A_465] {strides = array<i32>} : memref<16x2x16xf32, #tpu.memory_space<vmem>>, vector<1x1x16xf32>,
      %get3A_467 = vector.shape_cast %get3A_466 : vector<1x1x16xf32> to vector<16xf32>
      %jit3A_468 = arith.constant 7.056000e+03 : f32
      %broadcast_in_dim3A_469 = vector.broadcast %jit3A_468 : f32 to vector<16xf32>
      %select_n3A_470 = arith.select %eq3A_460, %get3A_467, %broadcast_in_dim3A_469 : vector<16xi1>, vector<16xf32>
      %min3A_471 = arith.minimumf %min3A_452, %select_n3A_470 : vector<16xf32>
      %get3A_472 = arith.constant 7 : i32
      %get3A_473 = arith.constant 0 : i32
      %get3A_474 = arith.index_cast %get3A_472 : i32 to index
      %get3A_475 = arith.index_cast %get3A_473 : i32 to index
      %get3A_476 = arith.constant 0 : index
      %get3A_477 = tpu.vector_load %arg7[%get3A_474, %get3A_475, %get3A_476] {strides = array<i32>} : memref<16x2x16xf32, #tpu.memory_space<vmem>>, vector<1x1x16xf32>,
      %get3A_478 = vector.shape_cast %get3A_477 : vector<1x1x16xf32> to vector<16xf32>
      %eq3A_479 = arith.cmpf oeq, %get3A_478, %max3A_339 : vector<16xf32>
      %get3A_480 = arith.constant 7 : i32
      %get3A_481 = arith.constant 1 : i32
      %get3A_482 = arith.index_cast %get3A_480 : i32 to index
      %get3A_483 = arith.index_cast %get3A_481 : i32 to index
      %get3A_484 = arith.constant 0 : index
      %get3A_485 = tpu.vector_load %arg7[%get3A_482, %get3A_483, %get3A_484] {strides = array<i32>} : memref<16x2x16xf32, #tpu.memory_space<vmem>>, vector<1x1x16xf32>,
      %get3A_486 = vector.shape_cast %get3A_485 : vector<1x1x16xf32> to vector<16xf32>
      %jit3A_487 = arith.constant 7.056000e+03 : f32
      %broadcast_in_dim3A_488 = vector.broadcast %jit3A_487 : f32 to vector<16xf32>
      %select_n3A_489 = arith.select %eq3A_479, %get3A_486, %broadcast_in_dim3A_488 : vector<16xi1>, vector<16xf32>
      %min3A_490 = arith.minimumf %min3A_471, %select_n3A_489 : vector<16xf32>
      %get3A_491 = arith.constant 8 : i32
      %get3A_492 = arith.constant 0 : i32
      %get3A_493 = arith.index_cast %get3A_491 : i32 to index
      %get3A_494 = arith.index_cast %get3A_492 : i32 to index
      %get3A_495 = arith.constant 0 : index
      %get3A_496 = tpu.vector_load %arg7[%get3A_493, %get3A_494, %get3A_495] {strides = array<i32>} : memref<16x2x16xf32, #tpu.memory_space<vmem>>, vector<1x1x16xf32>,
      %get3A_497 = vector.shape_cast %get3A_496 : vector<1x1x16xf32> to vector<16xf32>
      %eq3A_498 = arith.cmpf oeq, %get3A_497, %max3A_339 : vector<16xf32>
      %get3A_499 = arith.constant 8 : i32
      %get3A_500 = arith.constant 1 : i32
      %get3A_501 = arith.index_cast %get3A_499 : i32 to index
      %get3A_502 = arith.index_cast %get3A_500 : i32 to index
      %get3A_503 = arith.constant 0 : index
      %get3A_504 = tpu.vector_load %arg7[%get3A_501, %get3A_502, %get3A_503] {strides = array<i32>} : memref<16x2x16xf32, #tpu.memory_space<vmem>>, vector<1x1x16xf32>,
      %get3A_505 = vector.shape_cast %get3A_504 : vector<1x1x16xf32> to vector<16xf32>
      %jit3A_506 = arith.constant 7.056000e+03 : f32
      %broadcast_in_dim3A_507 = vector.broadcast %jit3A_506 : f32 to vector<16xf32>
      %select_n3A_508 = arith.select %eq3A_498, %get3A_505, %broadcast_in_dim3A_507 : vector<16xi1>, vector<16xf32>
      %min3A_509 = arith.minimumf %min3A_490, %select_n3A_508 : vector<16xf32>
      %get3A_510 = arith.constant 9 : i32
      %get3A_511 = arith.constant 0 : i32
      %get3A_512 = arith.index_cast %get3A_510 : i32 to index
      %get3A_513 = arith.index_cast %get3A_511 : i32 to index
      %get3A_514 = arith.constant 0 : index
      %get3A_515 = tpu.vector_load %arg7[%get3A_512, %get3A_513, %get3A_514] {strides = array<i32>} : memref<16x2x16xf32, #tpu.memory_space<vmem>>, vector<1x1x16xf32>,
      %get3A_516 = vector.shape_cast %get3A_515 : vector<1x1x16xf32> to vector<16xf32>
      %eq3A_517 = arith.cmpf oeq, %get3A_516, %max3A_339 : vector<16xf32>
      %get3A_518 = arith.constant 9 : i32
      %get3A_519 = arith.constant 1 : i32
      %get3A_520 = arith.index_cast %get3A_518 : i32 to index
      %get3A_521 = arith.index_cast %get3A_519 : i32 to index
      %get3A_522 = arith.constant 0 : index
      %get3A_523 = tpu.vector_load %arg7[%get3A_520, %get3A_521, %get3A_522] {strides = array<i32>} : memref<16x2x16xf32, #tpu.memory_space<vmem>>, vector<1x1x16xf32>,
      %get3A_524 = vector.shape_cast %get3A_523 : vector<1x1x16xf32> to vector<16xf32>
      %jit3A_525 = arith.constant 7.056000e+03 : f32
      %broadcast_in_dim3A_526 = vector.broadcast %jit3A_525 : f32 to vector<16xf32>
      %select_n3A_527 = arith.select %eq3A_517, %get3A_524, %broadcast_in_dim3A_526 : vector<16xi1>, vector<16xf32>
      %min3A_528 = arith.minimumf %min3A_509, %select_n3A_527 : vector<16xf32>
      %get3A_529 = arith.constant 10 : i32
      %get3A_530 = arith.constant 0 : i32
      %get3A_531 = arith.index_cast %get3A_529 : i32 to index
      %get3A_532 = arith.index_cast %get3A_530 : i32 to index
      %get3A_533 = arith.constant 0 : index
      %get3A_534 = tpu.vector_load %arg7[%get3A_531, %get3A_532, %get3A_533] {strides = array<i32>} : memref<16x2x16xf32, #tpu.memory_space<vmem>>, vector<1x1x16xf32>,
      %get3A_535 = vector.shape_cast %get3A_534 : vector<1x1x16xf32> to vector<16xf32>
      %eq3A_536 = arith.cmpf oeq, %get3A_535, %max3A_339 : vector<16xf32>
      %get3A_537 = arith.constant 10 : i32
      %get3A_538 = arith.constant 1 : i32
      %get3A_539 = arith.index_cast %get3A_537 : i32 to index
      %get3A_540 = arith.index_cast %get3A_538 : i32 to index
      %get3A_541 = arith.constant 0 : index
      %get3A_542 = tpu.vector_load %arg7[%get3A_539, %get3A_540, %get3A_541] {strides = array<i32>} : memref<16x2x16xf32, #tpu.memory_space<vmem>>, vector<1x1x16xf32>,
      %get3A_543 = vector.shape_cast %get3A_542 : vector<1x1x16xf32> to vector<16xf32>
      %jit3A_544 = arith.constant 7.056000e+03 : f32
      %broadcast_in_dim3A_545 = vector.broadcast %jit3A_544 : f32 to vector<16xf32>
      %select_n3A_546 = arith.select %eq3A_536, %get3A_543, %broadcast_in_dim3A_545 : vector<16xi1>, vector<16xf32>
      %min3A_547 = arith.minimumf %min3A_528, %select_n3A_546 : vector<16xf32>
      %get3A_548 = arith.constant 11 : i32
      %get3A_549 = arith.constant 0 : i32
      %get3A_550 = arith.index_cast %get3A_548 : i32 to index
      %get3A_551 = arith.index_cast %get3A_549 : i32 to index
      %get3A_552 = arith.constant 0 : index
      %get3A_553 = tpu.vector_load %arg7[%get3A_550, %get3A_551, %get3A_552] {strides = array<i32>} : memref<16x2x16xf32, #tpu.memory_space<vmem>>, vector<1x1x16xf32>,
      %get3A_554 = vector.shape_cast %get3A_553 : vector<1x1x16xf32> to vector<16xf32>
      %eq3A_555 = arith.cmpf oeq, %get3A_554, %max3A_339 : vector<16xf32>
      %get3A_556 = arith.constant 11 : i32
      %get3A_557 = arith.constant 1 : i32
      %get3A_558 = arith.index_cast %get3A_556 : i32 to index
      %get3A_559 = arith.index_cast %get3A_557 : i32 to index
      %get3A_560 = arith.constant 0 : index
      %get3A_561 = tpu.vector_load %arg7[%get3A_558, %get3A_559, %get3A_560] {strides = array<i32>} : memref<16x2x16xf32, #tpu.memory_space<vmem>>, vector<1x1x16xf32>,
      %get3A_562 = vector.shape_cast %get3A_561 : vector<1x1x16xf32> to vector<16xf32>
      %jit3A_563 = arith.constant 7.056000e+03 : f32
      %broadcast_in_dim3A_564 = vector.broadcast %jit3A_563 : f32 to vector<16xf32>
      %select_n3A_565 = arith.select %eq3A_555, %get3A_562, %broadcast_in_dim3A_564 : vector<16xi1>, vector<16xf32>
      %min3A_566 = arith.minimumf %min3A_547, %select_n3A_565 : vector<16xf32>
      %get3A_567 = arith.constant 12 : i32
      %get3A_568 = arith.constant 0 : i32
      %get3A_569 = arith.index_cast %get3A_567 : i32 to index
      %get3A_570 = arith.index_cast %get3A_568 : i32 to index
      %get3A_571 = arith.constant 0 : index
      %get3A_572 = tpu.vector_load %arg7[%get3A_569, %get3A_570, %get3A_571] {strides = array<i32>} : memref<16x2x16xf32, #tpu.memory_space<vmem>>, vector<1x1x16xf32>,
      %get3A_573 = vector.shape_cast %get3A_572 : vector<1x1x16xf32> to vector<16xf32>
      %eq3A_574 = arith.cmpf oeq, %get3A_573, %max3A_339 : vector<16xf32>
      %get3A_575 = arith.constant 12 : i32
      %get3A_576 = arith.constant 1 : i32
      %get3A_577 = arith.index_cast %get3A_575 : i32 to index
      %get3A_578 = arith.index_cast %get3A_576 : i32 to index
      %get3A_579 = arith.constant 0 : index
      %get3A_580 = tpu.vector_load %arg7[%get3A_577, %get3A_578, %get3A_579] {strides = array<i32>} : memref<16x2x16xf32, #tpu.memory_space<vmem>>, vector<1x1x16xf32>,
      %get3A_581 = vector.shape_cast %get3A_580 : vector<1x1x16xf32> to vector<16xf32>
      %jit3A_582 = arith.constant 7.056000e+03 : f32
      %broadcast_in_dim3A_583 = vector.broadcast %jit3A_582 : f32 to vector<16xf32>
      %select_n3A_584 = arith.select %eq3A_574, %get3A_581, %broadcast_in_dim3A_583 : vector<16xi1>, vector<16xf32>
      %min3A_585 = arith.minimumf %min3A_566, %select_n3A_584 : vector<16xf32>
      %get3A_586 = arith.constant 13 : i32
      %get3A_587 = arith.constant 0 : i32
      %get3A_588 = arith.index_cast %get3A_586 : i32 to index
      %get3A_589 = arith.index_cast %get3A_587 : i32 to index
      %get3A_590 = arith.constant 0 : index
      %get3A_591 = tpu.vector_load %arg7[%get3A_588, %get3A_589, %get3A_590] {strides = array<i32>} : memref<16x2x16xf32, #tpu.memory_space<vmem>>, vector<1x1x16xf32>,
      %get3A_592 = vector.shape_cast %get3A_591 : vector<1x1x16xf32> to vector<16xf32>
      %eq3A_593 = arith.cmpf oeq, %get3A_592, %max3A_339 : vector<16xf32>
      %get3A_594 = arith.constant 13 : i32
      %get3A_595 = arith.constant 1 : i32
      %get3A_596 = arith.index_cast %get3A_594 : i32 to index
      %get3A_597 = arith.index_cast %get3A_595 : i32 to index
      %get3A_598 = arith.constant 0 : index
      %get3A_599 = tpu.vector_load %arg7[%get3A_596, %get3A_597, %get3A_598] {strides = array<i32>} : memref<16x2x16xf32, #tpu.memory_space<vmem>>, vector<1x1x16xf32>,
      %get3A_600 = vector.shape_cast %get3A_599 : vector<1x1x16xf32> to vector<16xf32>
      %jit3A_601 = arith.constant 7.056000e+03 : f32
      %broadcast_in_dim3A_602 = vector.broadcast %jit3A_601 : f32 to vector<16xf32>
      %select_n3A_603 = arith.select %eq3A_593, %get3A_600, %broadcast_in_dim3A_602 : vector<16xi1>, vector<16xf32>
      %min3A_604 = arith.minimumf %min3A_585, %select_n3A_603 : vector<16xf32>
      %get3A_605 = arith.constant 14 : i32
      %get3A_606 = arith.constant 0 : i32
      %get3A_607 = arith.index_cast %get3A_605 : i32 to index
      %get3A_608 = arith.index_cast %get3A_606 : i32 to index
      %get3A_609 = arith.constant 0 : index
      %get3A_610 = tpu.vector_load %arg7[%get3A_607, %get3A_608, %get3A_609] {strides = array<i32>} : memref<16x2x16xf32, #tpu.memory_space<vmem>>, vector<1x1x16xf32>,
      %get3A_611 = vector.shape_cast %get3A_610 : vector<1x1x16xf32> to vector<16xf32>
      %eq3A_612 = arith.cmpf oeq, %get3A_611, %max3A_339 : vector<16xf32>
      %get3A_613 = arith.constant 14 : i32
      %get3A_614 = arith.constant 1 : i32
      %get3A_615 = arith.index_cast %get3A_613 : i32 to index
      %get3A_616 = arith.index_cast %get3A_614 : i32 to index
      %get3A_617 = arith.constant 0 : index
      %get3A_618 = tpu.vector_load %arg7[%get3A_615, %get3A_616, %get3A_617] {strides = array<i32>} : memref<16x2x16xf32, #tpu.memory_space<vmem>>, vector<1x1x16xf32>,
      %get3A_619 = vector.shape_cast %get3A_618 : vector<1x1x16xf32> to vector<16xf32>
      %jit3A_620 = arith.constant 7.056000e+03 : f32
      %broadcast_in_dim3A_621 = vector.broadcast %jit3A_620 : f32 to vector<16xf32>
      %select_n3A_622 = arith.select %eq3A_612, %get3A_619, %broadcast_in_dim3A_621 : vector<16xi1>, vector<16xf32>
      %min3A_623 = arith.minimumf %min3A_604, %select_n3A_622 : vector<16xf32>
      %get3A_624 = arith.constant 15 : i32
      %get3A_625 = arith.constant 0 : i32
      %get3A_626 = arith.index_cast %get3A_624 : i32 to index
      %get3A_627 = arith.index_cast %get3A_625 : i32 to index
      %get3A_628 = arith.constant 0 : index
      %get3A_629 = tpu.vector_load %arg7[%get3A_626, %get3A_627, %get3A_628] {strides = array<i32>} : memref<16x2x16xf32, #tpu.memory_space<vmem>>, vector<1x1x16xf32>,
      %get3A_630 = vector.shape_cast %get3A_629 : vector<1x1x16xf32> to vector<16xf32>
      %eq3A_631 = arith.cmpf oeq, %get3A_630, %max3A_339 : vector<16xf32>
      %get3A_632 = arith.constant 15 : i32
      %get3A_633 = arith.constant 1 : i32
      %get3A_634 = arith.index_cast %get3A_632 : i32 to index
      %get3A_635 = arith.index_cast %get3A_633 : i32 to index
      %get3A_636 = arith.constant 0 : index
      %get3A_637 = tpu.vector_load %arg7[%get3A_634, %get3A_635, %get3A_636] {strides = array<i32>} : memref<16x2x16xf32, #tpu.memory_space<vmem>>, vector<1x1x16xf32>,
      %get3A_638 = vector.shape_cast %get3A_637 : vector<1x1x16xf32> to vector<16xf32>
      %jit3A_639 = arith.constant 7.056000e+03 : f32
      %broadcast_in_dim3A_640 = vector.broadcast %jit3A_639 : f32 to vector<16xf32>
      %select_n3A_641 = arith.select %eq3A_631, %get3A_638, %broadcast_in_dim3A_640 : vector<16xi1>, vector<16xf32>
      %min3A_642 = arith.minimumf %min3A_623, %select_n3A_641 : vector<16xf32>
      %convert_element_type3A_643 = arith.fptosi %min3A_642 : vector<16xf32> to vector<16xi32>
      %and3A = arith.constant 15 : i32
      %and3A_644 = vector.broadcast %and3A : i32 to vector<16xi32>
      %and3A_645 = arith.andi %convert_element_type3A_643, %and3A_644 : vector<16xi32>
      %eq3A_646 = arith.cmpi eq, %iota3A, %and3A_645 : vector<16xi32>
      %jit3A_647 = arith.constant 1.000000e+00 : f32
      %jit3A_648 = arith.constant 0.000000e+00 : f32
      %broadcast_in_dim3A_649 = vector.broadcast %jit3A_647 : f32 to vector<16xf32>
      %broadcast_in_dim3A_650 = vector.broadcast %jit3A_648 : f32 to vector<16xf32>
      %select_n3A_651 = arith.select %eq3A_646, %broadcast_in_dim3A_649, %broadcast_in_dim3A_650 : vector<16xi1>, vector<16xf32>
      %swap3A_652 = arith.constant 0 : index
      %swap3A_653 = tpu.vector_load %arg8[%swap3A_652] {strides = array<i32>} : memref<16xf32, #tpu.memory_space<vmem>>, vector<16xf32>,
      %swap3A_654 = vector.shape_cast %swap3A_653 : vector<16xf32> to vector<16xf32>
      %swap3A_655 = vector.shape_cast %select_n3A_651 : vector<16xf32> to vector<16xf32>
      tpu.vector_store %arg8[%swap3A_652], %swap3A_655 {strides = array<i32>} : memref<16xf32, #tpu.memory_space<vmem>>, vector<16xf32>,
      %slice3A = vector.extract_strided_slice %convert_element_type3A_643 {offsets = [0], sizes = [1], strides = [1]} : vector<16xi32> to vector<1xi32>
      %squeeze3A = vector.extract %slice3A[0] : i32 from vector<1xi32>
      %jit3A_656 = arith.constant 16 : i32
      %div3A = arith.divsi %squeeze3A, %jit3A_656 : i32
      %sign3A = arith.constant 0 : i32
      %sign3A_657 = arith.cmpi sgt, %squeeze3A, %sign3A : i32
      %sign3A_658 = arith.extui %sign3A_657 : i1 to i32
      %sign3A_659 = arith.constant 0 : i32
      %sign3A_660 = arith.cmpi slt, %squeeze3A, %sign3A_659 : i32
      %sign3A_661 = arith.extui %sign3A_660 : i1 to i32
      %sign3A_662 = arith.subi %sign3A_658, %sign3A_661 : i32
      %sign3A_663 = arith.constant 0 : i32
      %sign3A_664 = arith.cmpi sgt, %jit3A_656, %sign3A_663 : i32
      %sign3A_665 = arith.extui %sign3A_664 : i1 to i32
      %sign3A_666 = arith.constant 0 : i32
      %sign3A_667 = arith.cmpi slt, %jit3A_656, %sign3A_666 : i32
      %sign3A_668 = arith.extui %sign3A_667 : i1 to i32
      %sign3A_669 = arith.subi %sign3A_665, %sign3A_668 : i32
      %ne3A = arith.cmpi ne, %sign3A_662, %sign3A_669 : i32
      %rem3A = arith.remsi %squeeze3A, %jit3A_656 : i32
      %ne3A_670 = arith.constant 0 : i32
      %ne3A_671 = arith.cmpi ne, %rem3A, %ne3A_670 : i32
      %and3A_672 = arith.andi %ne3A, %ne3A_671 : i1
      %sub3A = arith.constant 1 : i32
      %sub3A_673 = arith.subi %div3A, %sub3A : i32
      %select_n3A_674 = arith.select %and3A_672, %sub3A_673, %div3A : i32
      %mul3A_675 = arith.constant 16 : i32
      %mul3A_676 = arith.muli %select_n3A_674, %mul3A_675 : i32
      %run_scoped3A = arith.constant 0 : i32
      "tpu.region"() ({
        %run_scoped3A_677 = tpu.sem_alloc : memref<!tpu.dma_semaphore, #tpu.memory_space<semaphore_mem>>
        %dma_start3A_678 = tpu.memref_slice %arg3[%run_scoped3A, %mul3A_676] : memref<1x7056xf32, #tpu.memory_space<hbm>> -> memref<1x16xf32, #tpu.memory_space<hbm>>
        %dma_start3A_679 = tpu.memref_squeeze %dma_start3A_678 : memref<1x16xf32, #tpu.memory_space<hbm>> -> memref<16xf32, #tpu.memory_space<hbm>>
        %dma_start3A_680 = tpu.memref_slice %arg3[%run_scoped3A, %mul3A_676] : memref<1x7056xf32, #tpu.memory_space<hbm>> -> memref<1x16xf32, #tpu.memory_space<hbm>>
        %dma_start3A_681 = tpu.memref_squeeze %dma_start3A_680 : memref<1x16xf32, #tpu.memory_space<hbm>> -> memref<16xf32, #tpu.memory_space<hbm>>
        tpu.enqueue_dma source(%arg8 : memref<16xf32, #tpu.memory_space<vmem>>) target(%dma_start3A_681 : memref<16xf32, #tpu.memory_space<hbm>>) target_semaphore(%run_scoped3A_677 : memref<!tpu.dma_semaphore, #tpu.memory_space<semaphore_mem>>)
        %dma_wait3A_682 = tpu.memref_slice %arg3[%run_scoped3A, %mul3A_676] : memref<1x7056xf32, #tpu.memory_space<hbm>> -> memref<1x16xf32, #tpu.memory_space<hbm>>
        %dma_wait3A_683 = tpu.memref_squeeze %dma_wait3A_682 : memref<1x16xf32, #tpu.memory_space<hbm>> -> memref<16xf32, #tpu.memory_space<hbm>>
        %dma_wait3A_684 = tpu.memref_slice %arg3[%run_scoped3A, %mul3A_676] : memref<1x7056xf32, #tpu.memory_space<hbm>> -> memref<1x16xf32, #tpu.memory_space<hbm>>
        %dma_wait3A_685 = tpu.memref_squeeze %dma_wait3A_684 : memref<1x16xf32, #tpu.memory_space<hbm>> -> memref<16xf32, #tpu.memory_space<hbm>>
        tpu.wait_dma2 semaphore(%run_scoped3A_677 : memref<!tpu.dma_semaphore, #tpu.memory_space<semaphore_mem>>) src(%arg8 : memref<16xf32, #tpu.memory_space<vmem>>) dst(%dma_wait3A_685 : memref<16xf32, #tpu.memory_space<hbm>>)
        tpu.yield
      }) : () -> ()
    } else {
    }
    return
  }
}

</mosaic_0001>

<sc_bundles>
// kernel: kernel.3.cloned.1.call-start
scs
__scs_entry_jumppad:
0x0: {  	(pc) =	sbr.rel $0x88, $3  }
0x1: {  	(tag) =	ssettag $0x0;
	lr =	simm.s32 $0x1  }
0x2: {  	[smem:$0x3FA0] =	sst lr;
	_ =	strace $0xD0000000  }
0x3: {  	_ = 	snop  }
0x4: {  	_ = 	snop  }
0x5: {  	_ = 	snop  }
0x6: {  	_ = 	snop  }
0x7: {  	_ = 	snop  }
__scs_overlays_trampoline_lowered:
0x8: {  	[smem:$0x3FAF] =	sst s0  }
0x9: {  	[smem:$0x3FB0] =	sst s1  }
0xa: {  	[smem:$0x3FB1] =	sst s2  }
0xb: {  	[smem:$0x3FB2] =	sst s3  }
0xc: {  	[smem:$0x3FB3] =	sst s4  }
0xd: {  	[smem:$0x3FB4] =	sst s5  }
0xe: {  	[smem:$0x3FB5] =	sst s6  }
0xf: {  	[smem:$0x3FB6] =	sst s7  }
0x10: {  	[smem:$0x3FB7] =	sst s8  }
0x11: {  	[smem:$0x3FB8] =	sst s9;
	s0 =	simm.s32 @!p0 $0x0  }
0x12: {  	s1 =	sld [smem:$0x3F9E];
	s0 =	simm.s32 @p0 $0x1  }
0x13: {  	[smem:$0x3FB9] =	sst s0;
	s0 =	simm.s32 @!p1 $0x0  }
0x14: {  	s2 =	sld [smem:$0x3F9D];
	s0 =	simm.s32 @p1 $0x1  }
0x15: {  	[smem:$0x3FBA] =	sst s0;
	s0 =	simm.s32 @!p2 $0x0  }
0x16: {  	s3 =	sld [smem:$0x3FDB];
	s0 =	simm.s32 @p2 $0x1  }
0x17: {  	s4 =	simm.s32 $0x1BF5;
	[smem:$0x3FBC] =	sst s0  }
0x18: {  	s0 =	sld [smem:$0x3F9F];
	_ =	swait.ge [sflag:s4], $0x0  }
0x19: {  	s7 =	sld [smem:$0x3FA0]  }
0x1a: {  	s8 =	sadd.s32 $0xFFFFE003, lr  }
0x1b: {  	s9 =	sadd.s32 $0xFFFFFEF7, lr;
	s5 =	simm.s32 $0xFFFFFFFF;
	p2 =	slt.u32 s8, $0xFFFFF086  }
0x1c: {  	p1 =	slt.u32 s9, $0xF7A;
	s5 =	simm.s32 @!p2 $0x0  }
0x1d: {  	s5 =	simm.s32 @p1 $0x1;
	p0 =	seq.s32 s7, s2  }
0x1e: {  	s7 =	smul.u32 @!p0 $0xF7A, s2;
	p2 =	seq.s32 @!p0 s5, $0x0  }
0x1f: {  	s9 =	smul.u32 $0xF7A, s1;
	s8 =	simm.s32 @!p0 $0x1BF5;
	p2 =	por !p2, p0  }
0x20: {  	[sflag:s8] =	ssyncset.s32 @!p0 $0xFFFFF086;
	s6 =	sadd.s32 @!p0 s3, s7;
	s7 =	simm.s32 @!p0 $0x108  }
0x21: {  	s3 =	sadd.s32 s3, s9;
	s6 =	sadd.s32 @!p0 $0x88, s6;
	s7 =	simm.s32 @p2 $0x1082  }
0x22: {  	[simem:s7], [sflag:s8] =	dma.local @!p0 [hbm:s6], $0xF7A  }
0x23: {  	s9 =	sor.u32 $0xD0000000, s2;
	s6 =	simm.s32 $0x108;
	_ =	swait.ge @!p0 [sflag:s8], $0x0  }
0x24: {  	s3 =	sadd.s32 $0x88, s3;
	s6 =	simm.s32 @!p1 $0x1082;
	[sflag:s4] =	ssyncset.s32 $0xFFFFF086  }
0x25: {  	[simem:s6], [sflag:s4] =	dma.local [hbm:s3], $0xF7A  }
0x26: {  	[smem:$0x3FA0] =	sst s1;
	(tag) =	ssettag s2;
	_ =	strace s9  }
0x27: {  	s1 =	sld [smem:$0x3FB0]  }
0x28: {  	s2 =	sld [smem:$0x3FB1]  }
0x29: {  	s4 =	sld [smem:$0x3FB3]  }
0x2a: {  	p0 =	seq.s32 s5, $0x0;
	s5 =	sld [smem:$0x3FB4]  }
0x2b: {  	s6 =	sld [smem:$0x3FB5]  }
0x2c: {  	s7 =	sld [smem:$0x3FB6]  }
0x2d: {  	s3 =	simm.s32 $0x108;
	s8 =	sld [smem:$0x3FB7]  }
0x2e: {  	s3 =	simm.s32 @!p0 $0x1082;
	s9 =	sld [smem:$0x3FB8]  }
0x2f: {  	lr =	sadd.s32 s0, s3;
	s0 =	sld [smem:$0x3FAF]  }
0x30: {  	s3 =	sld [smem:$0x3FB2]  }
0x31: {  	[smem:$0x3FBB] =	sst s10  }
0x32: {  	s10 =	sld [smem:$0x3FB9];
	_ =	sdelay $0x3  }
0x33: {  	p0 =	seq.s32 s10, $0x1;
	s10 =	sld [smem:$0x3FBB];
	_ =	sdelay $0x3  }
0x34: {  	[smem:$0x3FBB] =	sst s10  }
0x35: {  	s10 =	sld [smem:$0x3FBA];
	_ =	sdelay $0x3  }
0x36: {  	p1 =	seq.s32 s10, $0x1;
	s10 =	sld [smem:$0x3FBB];
	_ =	sdelay $0x3  }
0x37: {  	[smem:$0x3FBB] =	sst s10  }
0x38: {  	s10 =	sld [smem:$0x3FBC]  }
0x39: {  	_ = 	snop;
	(pc) =	sbr.ind lr, $3  }
0x3a: {  	_ = 	snop  }
0x3b: {  	_ = 	snop  }
0x3c: {  	p2 =	seq.s32 s10, $0x1;
	s10 =	sld [smem:$0x3FBB]  }
0x3d: {  	_ =	shalt  }
0x3e: {  	_ =	shalt  }
0x3f: {  	_ =	shalt  }
0x40: {  	_ =	shalt  }
0x41: {  	_ =	shalt  }
0x42: {  	_ =	shalt  }
0x43: {  	_ =	shalt  }
0x44: {  	_ =	shalt  }
0x45: {  	_ =	shalt  }
0x46: {  	_ =	shalt  }
0x47: {  	_ =	shalt  }
0x48: {  	_ =	shalt  }
0x49: {  	_ =	shalt  }
0x4a: {  	_ =	shalt  }
0x4b: {  	_ =	shalt  }
0x4c: {  	_ =	shalt  }
0x4d: {  	_ =	shalt  }
0x4e: {  	_ =	shalt  }
0x4f: {  	_ =	shalt  }
0x50: {  	_ =	shalt  }
0x51: {  	_ =	shalt  }
0x52: {  	_ =	shalt  }
0x53: {  	_ =	shalt  }
0x54: {  	_ =	shalt  }
0x55: {  	_ =	shalt  }
0x56: {  	_ =	shalt  }
0x57: {  	_ =	shalt  }
0x58: {  	_ =	shalt  }
0x59: {  	_ =	shalt  }
0x5a: {  	_ =	shalt  }
0x5b: {  	_ =	shalt  }
0x5c: {  	_ =	shalt  }
0x5d: {  	_ =	shalt  }
0x5e: {  	_ =	shalt  }
0x5f: {  	_ =	shalt  }
0x60: {  	_ =	shalt  }
0x61: {  	_ =	shalt  }
0x62: {  	_ =	shalt  }
0x63: {  	_ =	shalt  }
0x64: {  	_ =	shalt  }
0x65: {  	_ =	shalt  }
0x66: {  	_ =	shalt  }
0x67: {  	_ =	shalt  }
0x68: {  	_ =	shalt  }
0x69: {  	_ =	shalt  }
0x6a: {  	_ =	shalt  }
0x6b: {  	_ =	shalt  }
0x6c: {  	_ =	shalt  }
0x6d: {  	_ =	shalt  }
0x6e: {  	_ =	shalt  }
0x6f: {  	_ =	shalt  }
0x70: {  	_ =	shalt  }
0x71: {  	_ =	shalt  }
0x72: {  	_ =	shalt  }
0x73: {  	_ =	shalt  }
0x74: {  	_ =	shalt  }
0x75: {  	_ =	shalt  }
0x76: {  	_ =	shalt  }
0x77: {  	_ =	shalt  }
0x78: {  	_ =	shalt  }
0x79: {  	_ =	shalt  }
0x7a: {  	_ =	shalt  }
0x7b: {  	_ =	shalt  }
0x7c: {  	_ =	shalt  }
0x7d: {  	_ =	shalt  }
0x7e: {  	_ =	shalt  }
0x7f: {  	_ =	shalt  }
0x80: {  	_ =	shalt  }
0x81: {  	_ =	shalt  }
0x82: {  	_ =	shalt  }
0x83: {  	_ =	shalt  }
0x84: {  	_ =	shalt  }
0x85: {  	_ =	shalt  }
0x86: {  	_ =	shalt  }
0x87: {  	_ =	shalt  }
.Lfunc_end0:
.L_simem_size_0:
called_computation_lowered:
.L_overlay_start_0:
0x88: {  	s0 =	sld [smem:$0x3FD9]  }
0x89: {  	s1 =	sld [smem:$0x3FFE];
	_ =	sdelay $0x3  }
0x8a: {  	s0 =	sadd.s32 s1, s0  }
0x8b: {  	[smem:$0x3FC7] =	sst s0  }
0x8c: {  	_ = 	snop  }
0x8d: {  	s16 =	sld [smem:$0x3FD0];
	(tm) =	ssettm $0x1  }
0x8e: {  	s2 =	sld [smem:$0x3FFB];
	_ =	sdelay $0x3  }
0x8f: {  	_ =	strace s2  }
0x90: {  	s2 =	sld [smem:$0x3FFC];
	_ =	sdelay $0x3  }
0x91: {  	_ =	strace s2  }
0x92: {  	s2 =	sld [smem:$0x3FFD];
	_ =	sdelay $0x3  }
0x93: {  	_ =	strace s2  }
0x94: {  	_ =	strace $0x8FFFFFFF  }
0x95: {  	s17 =	sld [smem:$0x3FDB];
	_ =	sdelay $0x1  }
0x96: {  	s3 =	simm.s32 $_scs_section_size  }
0x97: {  	s4 =	simm.s32 $_size__tile_overlayer_lowered;
	s5 =	simm.s32 $_tile_overlayer_lowered  }
0x98: {  	s20 =	simm.s32 $0x1BFF;
	s19 =	sshll.u32 s5, $0x1;
	s2 =	sadd.s32 s3, s17  }
0x99: {  	s6 =	simm.s32 $0x0;
	s18 =	sshll.u32 s4, $0x1;
	s4 =	sadd.s32 s19, s2  }
0x9a: {  	[timem:s6], [sflag:s20] =	dma.local [hbm:s4], s18  }
0x9b: {  	_ =	swait.ge [sflag:s20], s18  }
0x9c: {  	s3 =	ssub.s32 $0x0, s18;
	[sflag:s20] =	ssyncset.done $0x0  }
0x9d: {  	[sflag:s20] =	ssyncadd.s32 s3;
	_ =	sdelay $0x1  }
0x9e: {  	s21 =	simm.s32 $0x1B8B  }
0x9f: {  	_ =	swait.ge [sflag:s21], $0x1  }
0xa0: {  	[sflag:s21] =	ssyncset.done $0x0  }
0xa1: {  	s23 =	simm.s32 $0x1B8E;
	s22 =	sld [smem:$0x3FFE];
	[sflag:s21] =	ssyncadd.s32 $0xFFFFFFFF  }
0xa2: {  	s24 =	simm.s32 $execute0_lowered;
	[smem:$0x3FD2] =	sst s23  }
0xa3: {  	s4 =	sshll.u32 s24, $0x1;
	_ =	strace $0x80000046;
	[dreg:$0x1] =	wrdreg $0xFFFFFFFF  }
0xa4: {  	s25 =	simm.s32 $_size_execute0_lowered;
	s2 =	sadd.s32 s2, s4;
	[dreg:$0x0] =	wrdreg $0x0  }
0xa5: {  	s4 =	sshll.u32 s25, $0x1;
	[dreg:$0x2] =	wrdreg s2  }
0xa6: {  	[dreg:$0x3] =	wrdreg s4  }
0xa7: {  	[dreg:$0x4] =	wrdreg $0xC0  }
0xa8: {  	_ =	task [dreg:s6], $0x5FFFF  }
0xa9: {  	[dreg:$0x1] =	wrdreg $0xFFFFFFFF  }
0xaa: {  	[dreg:$0x0] =	wrdreg $0x60  }
0xab: {  	[dreg:$0x2] =	wrdreg s22  }
0xac: {  	s0 =	sadd.s32 $0x400, s0;
	[dreg:$0x3] =	wrdreg s16  }
0xad: {  	[dreg:$0x4] =	wrdreg s0  }
0xae: {  	[dreg:$0x5] =	wrdreg $0x9  }
0xaf: {  	_ =	task.clear_ibuf [dreg:s6], $0x6FFFF;
	_ =	strace $0x90000046  }
0xb0: {  	s26 =	simm.s32 $0x9;
	_ =	strace $0x80000048  }
0xb1: {  	_ =	swait.ge [sflag:s26], $0x1  }
0xb2: {  	[sflag:s26] =	ssyncadd.s32 $0xFFFFFFFF  }
0xb3: {  	_ =	strace $0x90000048  }
0xb4: {  	_ =	sfence  }
0xb5: {  	s28 =	sld [smem:$0x0];
	_ =	sdelay $0x1  }
0xb6: {  	s29 =	srdreg.scid  }
0xb7: {  	s30 =	sshll.u32 s29, $0xD;
	s31 =	sshrl.u32 s29, $0x2  }
0xb8: {  	s1 =	sand.u32 $0x1, s29;
	s2 =	sand.u32 $0x4000, s30;
	s0 =	sadd.s32 s31, s28  }
0xb9: {  	s1 =	sor.u32 s2, s1;
	s0 =	sshll.u32 s0, $0x11  }
0xba: {  	s0 =	sor.u32 s0, s1  }
0xbb: {  	s0 =	sadd.s32 $0x8F2B, s0  }
0xbc: {  	[sflag:s0] =	ssyncadd.remote.s32 $0x1  }
0xbd: {  	_ =	sfence.sel $0xFFFF  }
0xbe: {  	[dreg:$0x0] =	wrdreg $0xFFFFFFFF;
	(pc) =	sbr.abs _section_cstart, $3  }
0xbf: {  	[dreg:$0x1] =	wrdreg $0xFFFFFFFF  }
0xc0: {  	_ =	task.clear_ibuf [dreg:s6], $0x2FFFF;
	_ =	strace $0x9FFFFFFF  }
0xc1: {  	(tm) =	ssettm $0x7FFFFFFF  }
tec
execute0_lowered:
.L_overlay_start_1:
0x0: {  	(tag) =	ssettag $0x1  }
0x1: {  	s5 =	rddreg [dreg:$0x0]  }
0x2: {  	s1 =	rddreg [dreg:$0x1]  }
0x3: {  	s2 =	rddreg [dreg:$0x2];
	s3 =	stileid.u32  }
0x4: {  	s0 =	rddreg [dreg:$0x3];
	s4 =	simm.s32 $0x0;
	s6 =	smul.u32 $0x2C, s3  }
0x5: {  	[smem:$0x7FF] =	sst s4;
	s5 =	sadd.s32 $0x400, s5;
	p1 =	sgt.u32 s3, $0x4  }
0x6: {  	_ =	strace $0x80000047;
	s7 =	smul.u32 @!p1 $0x160, s3;
	s6 =	sadd.s32 s5, s6  }
0x7: {  	[tilespmem:s4], [sflag:$0x1] =	stream.linear.gather [hbm4b:s6+s4], $0x160, $0x38;
	[tilespmem:$0x6B0] =	vst v63  }
0x8: {  	s6 =	sshrl.u32 @!p1 s7, $0x3  }
0x9: {  	s5 =	sadd.s32 @!p1 s5, s6  }
0xa: {  	s7 =	simm.s32 @!p1 $0x160;
	s6 =	simm.s32 @!p1 $0x0;
	s5 =	sadd.s32 @!p1 $0x2C0, s5  }
0xb: {  	v0 =	vimm.f32 $0.0e+00;
	[tilespmem:s7], [sflag:$0x1] =	stream.linear.gather @!p1 [hbm4b:s5+s6], $0x160, $0x38;
	[tilespmem:$0x6B0] =	vst v63  }
0xc: {  	[tilespmem:$0x2C0] =	vst v0  }
0xd: {  	[tilespmem:$0x2D0] =	vst v0  }
0xe: {  	[tilespmem:$0x2E0] =	vst v0  }
0xf: {  	[tilespmem:$0x2F0] =	vst v0  }
0x10: {  	[tilespmem:$0x300] =	vst v0  }
0x11: {  	[tilespmem:$0x310] =	vst v0  }
0x12: {  	[tilespmem:$0x320] =	vst v0  }
0x13: {  	[tilespmem:$0x330] =	vst v0  }
0x14: {  	[tilespmem:$0x340] =	vst v0  }
0x15: {  	[tilespmem:$0x350] =	vst v0  }
0x16: {  	[tilespmem:$0x360] =	vst v0  }
0x17: {  	[tilespmem:$0x370] =	vst v0  }
0x18: {  	[tilespmem:$0x380] =	vst v0  }
0x19: {  	[tilespmem:$0x390] =	vst v0  }
0x1a: {  	[tilespmem:$0x3A0] =	vst v0  }
0x1b: {  	[tilespmem:$0x3B0] =	vst v0  }
0x1c: {  	[tilespmem:$0x3C0] =	vst v0  }
0x1d: {  	[tilespmem:$0x3D0] =	vst v0  }
0x1e: {  	[tilespmem:$0x3E0] =	vst v0  }
0x1f: {  	[tilespmem:$0x3F0] =	vst v0  }
0x20: {  	[tilespmem:$0x400] =	vst v0  }
0x21: {  	[tilespmem:$0x410] =	vst v0  }
0x22: {  	p0 =	sne.s32 s3, $0xF;
	[tilespmem:$0x420] =	vst v0  }
.Ltmp0:
0x23: {  	[tilespmem:$0x430] =	vst v0;
	(pc) =	sbr.rel @p0 .LBB2_2-.Ltmp0, $4  }
0x24: {  	[tilespmem:$0x440] =	vst v0  }
0x25: {  	[tilespmem:$0x450] =	vst v0  }
0x26: {  	[tilespmem:$0x460] =	vst v0  }
0x27: {  	[tilespmem:$0x470] =	vst v0  }
.Ltmp1:
0x28: {  	(pc) =	sbr.rel .LBB2_3-.Ltmp1, $3  }
0x29: {  	_ =	sdelay $0x1  }
0x2a: {  	s5 =	sadd.s32 $0x348, s1;
	s6 =	simm.s32 $0x2C0  }
0x2b: {  	[hbm4b:s5+s4] =	stream.linear.scatter [tilespmem:s6], [sflag:$0x2], $0x150, $0x38;
	[tilespmem:$0x6B0] =	vst v63  }
.LBB2_2:
0x2c: {  	s5 =	smul.u32 $0x38, s3  }
0x2d: {  	s6 =	simm.s32 $0x2C0  }
.Ltmp2:
0x2e: {  	s31 =	simm.s32 $0x1;
	s5 =	sadd.s32 s1, s5;
	(pc) =	sbr.rel @p1 .LBB2_4-.Ltmp2, $4  }
0x2f: {  	[hbm4b:s5+s4] =	stream.linear.scatter [tilespmem:s6], [sflag:$0x2], $0x1C0, $0x38;
	[tilespmem:$0x6B0] =	vst v63  }
0x30: {  	_ =	swait.ge [sflag:s31], $0x160  }
0x31: {  	[sflag:s31] =	ssyncset.done $0x0  }
0x32: {  	[sflag:s31] =	ssyncadd.s32 $0xFFFFFEA0  }
.LBB2_3:
0x33: {  	s4 =	simm.s32 $0x1  }
0x34: {  	_ =	swait.ge [sflag:s4], $0x160  }
0x35: {  	[sflag:s4] =	ssyncset.done $0x0  }
0x36: {  	[sflag:s4] =	ssyncadd.s32 $0xFFFFFEA0  }
.LBB2_4:
0x37: {  	s6 =	simm.s32 $0x30  }
0x38: {  	s5 =	smul.u32 $0x150, s3;
	p1 =	por $0x0, $0x0;
	s4 =	simm.s32 $0x13B0;
	v1 =	vld [tilespmem:s6+$0xFFFFFFD0]  }
0x39: {  	s4 =	simm.s32 @!p1 $0x0  }
0x3a: {  	s4 =	sadd.s32 s4, s5  }
0x3b: {  	v0 =	vlaneseq.u32;
	v2 =	vld [tilespmem:s6+$0xFFFFFFE0];
	s11 =	sadd.s32 $0x0, s4  }
0x3c: {  	v3 =	vimm.f32 $-Inf;
	v4 =	vadd.s32 s11, v0  }
0x3d: {  	vm1 =	vlt.u32 v4, $0x1B90;
	vm0 =	vgt.f32 v1, v3  }
0x3e: {  	v5 =	vld [tilespmem:s6+$0xFFFFFFF0];
	s4 =	sadd.s32 $0x10, s11;
	vm0 =	vmand vm1, vm0  }
0x3f: {  	v6 =	vadd.s32 s4, v0;
	v1 =	vsel vm0, v1, v3  }
0x40: {  	vm2 =	vlt.u32 v6, $0x1B90;
	vm1 =	vgt.f32 v2, v1  }
0x41: {  	v7 =	vld [tilespmem:s6+$0x0];
	s30 =	sadd.s32 $0x20, s11;
	vm1 =	vmand vm2, vm1  }
0x42: {  	v1 =	vsel vm1, v2, v1;
	v2 =	vadd.s32 s30, v0  }
0x43: {  	vm2 =	vgt.f32 v5, v1;
	vm3 =	vlt.u32 v2, $0x1B90  }
0x44: {  	s31 =	sadd.s32 $0x30, s11;
	v3 =	vld [tilespmem:s6+$0x10];
	vm2 =	vmand vm3, vm2  }
0x45: {  	v8 =	vimm.s32 $0x0;
	v1 =	vsel vm2, v5, v1;
	v5 =	vadd.s32 s31, v0  }
0x46: {  	v4 =	vsel vm0, v4, v8;
	vm3 =	vgt.f32 v7, v1;
	vm4 =	vlt.u32 v5, $0x1B90  }
0x47: {  	s8 =	sadd.s32 $0x40, s11;
	v4 =	vsel vm1, v6, v4;
	vm0 =	vmand vm4, vm3  }
0x48: {  	s7 =	simm.s32 $0x13B0;
	s9 =	simm.s32 $0x1;
	v2 =	vsel vm2, v2, v4;
	v4 =	vld [tilespmem:s6+$0x14];
	v6 =	vsel vm0, v7, v1;
	v1 =	vadd.s32 s8, v0  }
0x49: {  	p2 =	por $0x0, $0x0;
	s10 =	simm.s32 $0xA8;
	s6 =	simm.s32 $0x88;
	vm1 =	vgt.f32 v3, v6;
	vm2 =	vlt.u32 v1, $0x1B90  }
0x4a: {  	s11 =	sadd.s32 $0x44, s11;
	s4 =	sshll.u32 s3, $0x2;
	s8 =	simm.s32 $0x54;
	v2 =	vsel vm0, v5, v2;
	v5 =	vld [tilespmem:s6+$0xFFFFFFD0];
	vm0 =	vmand vm2, vm1  }
.LBB2_5:
0x4b: {  	s12 =	simm.s32 $0x13B0  }
0x4c: {  	p1 =	sne.s32 s10, $0x24C;
	v3 =	vsel vm0, v3, v6;
	v1 =	vsel vm0, v1, v2;
	v2 =	vadd.s32 s11, v0;
	s12 =	simm.s32 @!p2 $0x0  }
0x4d: {  	vm0 =	vgt.f32 v4, v3;
	vm1 =	vlt.u32 v2, $0x1B90;
	s11 =	sadd.s32 s12, s5  }
0x4e: {  	vm0 =	vmand vm1, vm0;
	s11 =	sadd.s32 s8, s11;
	v6 =	vld [tilespmem:s6+$0xFFFFFFE0];
	s8 =	smov.u32 s10  }
0x4f: {  	v3 =	vsel vm0, v4, v3;
	v1 =	vsel vm0, v2, v1;
	v7 =	vadd.s32 s11, v0  }
0x50: {  	vm0 =	vgt.f32 v5, v3;
	vm1 =	vlt.u32 v7, $0x1B90  }
0x51: {  	s12 =	sadd.s32 $0x10, s11;
	vm0 =	vmand vm1, vm0;
	v2 =	vld [tilespmem:s6+$0xFFFFFFF0]  }
0x52: {  	v4 =	vadd.s32 s12, v0;
	v3 =	vsel vm0, v5, v3;
	v1 =	vsel vm0, v7, v1  }
0x53: {  	vm1 =	vlt.u32 v4, $0x1B90;
	vm0 =	vgt.f32 v6, v3  }
0x54: {  	s12 =	sadd.s32 $0x20, s11;
	vm0 =	vmand vm1, vm0;
	v5 =	vld [tilespmem:s6+$0x0]  }
0x55: {  	v6 =	vsel vm0, v6, v3;
	v1 =	vsel vm0, v4, v1;
	v4 =	vadd.s32 s12, v0  }
0x56: {  	vm0 =	vgt.f32 v2, v6;
	vm1 =	vlt.u32 v4, $0x1B90  }
0x57: {  	s12 =	sadd.s32 $0x30, s11;
	vm0 =	vmand vm1, vm0;
	v3 =	vld [tilespmem:s6+$0x10]  }
0x58: {  	v7 =	vadd.s32 s12, v0;
	v2 =	vsel vm0, v2, v6;
	v1 =	vsel vm0, v4, v1  }
.Ltmp3:
0x59: {  	vm1 =	vlt.u32 v7, $0x1B90;
	vm0 =	vgt.f32 v5, v2;
	(pc) =	sbr.rel @p1 .LBB2_5-.Ltmp3, $4  }
0x5a: {  	s12 =	sadd.s32 $0x40, s11;
	vm0 =	vmand vm1, vm0;
	v4 =	vld [tilespmem:s6+$0x14]  }
0x5b: {  	v6 =	vsel vm0, v5, v2;
	v2 =	vsel vm0, v7, v1;
	v1 =	vadd.s32 s12, v0  }
0x5c: {  	s9 =	sadd.s32 $0x1, s9;
	s6 =	sadd.s32 $0x58, s6;
	vm0 =	vgt.f32 v3, v6;
	vm1 =	vlt.u32 v1, $0x1B90  }
0x5d: {  	p2 =	sgt.u32 s9, $0x3;
	s10 =	sadd.s32 $0x54, s10;
	s11 =	sadd.s32 $0x44, s11;
	v5 =	vld [tilespmem:s6+$0xFFFFFFD0];
	vm0 =	vmand vm1, vm0  }
0x5e: {  	s7 =	simm.s32 @!p2 $0x0;
	v3 =	vsel vm0, v3, v6;
	v42 =	vadd.s32 s11, v0  }
0x5f: {  	s5 =	sadd.s32 s7, s5;
	vm1 =	vgt.f32 v4, v3;
	vm2 =	vlt.u32 v42, $0x1B90  }
0x60: {  	v7 =	vld [tilespmem:s6+$0xFFFFFFE0];
	s5 =	sadd.s32 s8, s5;
	vm1 =	vmand vm2, vm1  }
0x61: {  	v8 =	vadd.s32 s5, v0;
	v3 =	vsel vm1, v4, v3  }
0x62: {  	vm9 =	vgt.f32 v5, v3;
	vm3 =	vlt.u32 v8, $0x1B90  }
0x63: {  	v43 =	vld [tilespmem:s6+$0xFFFFFFF0];
	s24 =	sadd.s32 $0x10, s5;
	vm2 =	vmand vm3, vm9  }
0x64: {  	v44 =	vadd.s32 s24, v0;
	v3 =	vsel vm2, v5, v3  }
0x65: {  	vm4 =	vlt.u32 v44, $0x1B90;
	vm10 =	vgt.f32 v7, v3  }
0x66: {  	v9 =	vld [tilespmem:s6+$0x0];
	s25 =	sadd.s32 $0x20, s5;
	vm3 =	vmand vm4, vm10  }
0x67: {  	v45 =	vadd.s32 s25, v0;
	v3 =	vsel vm3, v7, v3  }
0x68: {  	vm5 =	vlt.u32 v45, $0x1B90;
	vm11 =	vgt.f32 v43, v3  }
0x69: {  	v10 =	vld [tilespmem:s6+$0x10];
	v12 =	vimm.s32 $0xFEDCBA98;
	v13 =	vimm.s32 $0x76543210;
	s26 =	sadd.s32 $0x30, s5;
	vm4 =	vmand vm5, vm11  }
0x6a: {  	v51 =	vimm.s32 $0xBA98FEDC;
	v46 =	vadd.s32 s26, v0;
	v3 =	vsel vm4, v43, v3  }
0x6b: {  	v53 =	vimm.s32 $0x32107654;
	vm6 =	vlt.u32 v46, $0x1B90;
	vm12 =	vgt.f32 v9, v3  }
0x6c: {  	v11 =	vld [tilespmem:s6+$0x14];
	v14 =	vimm.s32 $0xDCFE98BA;
	v15 =	vimm.s32 $0x54761032;
	s28 =	sadd.s32 $0x40, s5;
	vm5 =	vmand vm6, vm12  }
0x6d: {  	v12 =	vunpack.c.l.s4.s8 v12;
	v47 =	vadd.s32 s28, v0;
	v3 =	vsel vm5, v9, v3  }
0x6e: {  	v13 =	vunpack.c.l.s4.s8 v13;
	vm7 =	vlt.u32 v47, $0x1B90;
	vm13 =	vgt.f32 v10, v3  }
0x6f: {  	v52 =	vunpack.c.l.s4.s8 v51;
	v54 =	vunpack.c.l.s4.s8 v53;
	s5 =	sadd.s32 $0x44, s5;
	vm6 =	vmand vm7, vm13  }
0x70: {  	v49 =	vunpack.c.0.s8.s32 v12;
	v48 =	vadd.s32 s5, v0;
	v3 =	vsel vm6, v10, v3  }
0x71: {  	v50 =	vunpack.c.0.s8.s32 v13;
	vm8 =	vlt.u32 v48, $0x1B90;
	vm14 =	vgt.f32 v11, v3  }
0x72: {  	v12 =	vunpack.c.0.s8.s32 v52;
	v10 =	vand.u32 $0xF, v49;
	vm7 =	vmand vm8, vm14  }
0x73: {  	v10 =	vcombine.low v10, v50;
	v3 =	vsel vm7, v11, v3;
	v11 =	vunpack.c.0.s8.s32 v54  }
0x74: {  	v58 =	vimm.s32 $0xEFCDAB89;
	v14 =	vunpack.c.l.s4.s8 v14;
	v15 =	vunpack.c.l.s4.s8 v15  }
0x75: {  	v16 =	vimm.s32 $0x67452301;
	v55 =	vperm.xlane v3, v10;
	v11 =	vcombine.low v11, v12  }
0x76: {  	v16 =	vunpack.c.l.s4.s8 v16;
	v56 =	vunpack.c.0.s8.s32 v14;
	v57 =	vunpack.c.0.s8.s32 v15  }
0x77: {  	v15 =	vunpack.c.l.s4.s8 v58;
	v13 =	vmax.f32 v3, v55;
	v11 =	vand.u32 $0xF, v11  }
0x78: {  	v12 =	vcombine.low v57, v56;
	v59 =	vperm.xlane v13, v11  }
0x79: {  	v16 =	vunpack.c.0.s8.s32 v16;
	v15 =	vunpack.c.0.s8.s32 v15  }
0x7a: {  	v1 =	vsel vm0, v1, v2;
	v12 =	vand.u32 $0xF, v12;
	v60 =	vmax.f32 v13, v59  }
0x7b: {  	v1 =	vsel vm1, v42, v1;
	v61 =	vcombine.low v16, v15;
	v13 =	vperm.xlane v60, v12  }
0x7c: {  	v1 =	vsel vm2, v8, v1  }
0x7d: {  	v1 =	vsel vm3, v44, v1;
	v62 =	vand.u32 $0xF, v61;
	v2 =	vmax.f32 v60, v13  }
0x7e: {  	v1 =	vsel vm4, v45, v1;
	v6 =	vperm.xlane v2, v62  }
0x7f: {  	v1 =	vsel vm5, v46, v1  }
0x80: {  	v1 =	vsel vm6, v47, v1;
	v2 =	vmax.f32 v2, v6  }
0x81: {  	v0 =	vsel vm7, v48, v1;
	vm15 =	veq.f32 v3, v2  }
0x82: {  	v0 =	vnsel vm15, $0x1B90, v0  }
0x83: {  	v63 =	vperm.xlane v0, v10;
	_ =	sdelay $0x1  }
0x84: {  	vm0 =	vlt.s32 v0, v63  }
0x85: {  	v0 =	vsel vm0, v0, v63  }
0x86: {  	v1 =	vperm.xlane v0, v11;
	_ =	sdelay $0x1  }
0x87: {  	vm0 =	vlt.s32 v0, v1  }
0x88: {  	v0 =	vsel vm0, v0, v1  }
0x89: {  	v1 =	vperm.xlane v0, v12;
	_ =	sdelay $0x1  }
0x8a: {  	vm0 =	vlt.s32 v0, v1  }
0x8b: {  	v0 =	vsel vm0, v0, v1  }
0x8c: {  	v1 =	vperm.xlane v0, v62;
	_ =	sdelay $0x1  }
0x8d: {  	vm0 =	vlt.s32 v0, v1  }
0x8e: {  	v0 =	vsel vm0, v0, v1  }
0x8f: {  	v0 =	vcvt.s32.f32 v0  }
0x90: {  	s29 =	sadd.s32 s4, s2;
	[tilespmem:$0x480] =	vst v2  }
0x91: {  	s4 =	simm.s32 $0x0;
	s30 =	simm.s32 $0x480;
	s5 =	simm.s32 @p0 $0x2;
	[tilespmem:$0x490] =	vst v0  }
0x92: {  	[hbm4b:s29+s4] =	stream.linear.scatter [tilespmem:s30], [sflag:$0x3], $0x20, $0x38;
	[tilespmem:$0x6B0] =	vst v63  }
0x93: {  	_ =	swait.ge @p0 [sflag:s5], $0x1C0  }
0x94: {  	[sflag:s5] =	ssyncset.done @p0 $0x0  }
0x95: {  	[sflag:s5] =	ssyncadd.s32 @p0 $0xFFFFFE40;
	s5 =	simm.s32 @!p0 $0x2  }
0x96: {  	_ =	swait.ge @!p0 [sflag:s5], $0x150  }
0x97: {  	[sflag:s5] =	ssyncset.done @!p0 $0x0  }
0x98: {  	s31 =	simm.s32 $0x3;
	[sflag:s5] =	ssyncadd.s32 @!p0 $0xFFFFFEB0  }
0x99: {  	_ =	swait.ge [sflag:s31], $0x20  }
0x9a: {  	[sflag:s31] =	ssyncset.done $0x0  }
0x9b: {  	[sflag:s31] =	ssyncadd.s32 $0xFFFFFFE0  }
0x9c: {  	p0 =	sne.s32 s3, $0x0;
	[bflag:$0x0] =	sbarrier.arrive $0xFFFF  }
0x9d: {  	_ =	sfence.sel @p0 $0x180000  }
0x9e: {  	[bflag:$0x0] =	sbarrier.arrive @p0 $0xFFFF  }
0x9f: {  	_ =	strace @p0 $0x90000047  }
0xa0: {  	[bflag:$0x2] =	sbarrier.arrive @p0 $0xFFFF  }
0xa1: {  	_ =	shalt @p0  }
.LBB2_7:
0xa2: {  	s3 =	simm.s32 $0x4A0;
	s28 =	simm.s32 $0x4  }
0xa3: {  	[tilespmem:s3], [sflag:$0x4] =	stream.linear.gather [hbm4b:s2+s4], $0x200, $0x38;
	[tilespmem:$0x6B0] =	vst v63  }
0xa4: {  	_ =	swait.ge [sflag:s28], $0x200  }
0xa5: {  	[sflag:s28] =	ssyncset.done $0x0  }
0xa6: {  	[sflag:s28] =	ssyncadd.s32 $0xFFFFFE00  }
0xa7: {  	v0 =	vld [tilespmem:$0x4A0]  }
0xa8: {  	v1 =	vld [tilespmem:$0x4C0]  }
0xa9: {  	v2 =	vld [tilespmem:$0x4E0]  }
0xaa: {  	v3 =	vld [tilespmem:$0x500]  }
0xab: {  	v4 =	vld [tilespmem:$0x520]  }
0xac: {  	v5 =	vld [tilespmem:$0x540]  }
0xad: {  	v7 =	vld [tilespmem:$0x560];
	v6 =	vmax.f32 v0, v1  }
0xae: {  	v8 =	vld [tilespmem:$0x580];
	v6 =	vmax.f32 v6, v2  }
0xaf: {  	v9 =	vld [tilespmem:$0x5A0];
	v6 =	vmax.f32 v6, v3  }
0xb0: {  	v10 =	vld [tilespmem:$0x5C0];
	v6 =	vmax.f32 v6, v4  }
0xb1: {  	v11 =	vld [tilespmem:$0x5E0];
	v6 =	vmax.f32 v6, v5  }
0xb2: {  	v12 =	vld [tilespmem:$0x600];
	v6 =	vmax.f32 v6, v7  }
0xb3: {  	v13 =	vld [tilespmem:$0x620];
	v6 =	vmax.f32 v6, v8  }
0xb4: {  	v14 =	vld [tilespmem:$0x640];
	v6 =	vmax.f32 v6, v9  }
0xb5: {  	v15 =	vld [tilespmem:$0x660];
	v6 =	vmax.f32 v6, v10  }
0xb6: {  	v16 =	vld [tilespmem:$0x680];
	v6 =	vmax.f32 v6, v11  }
0xb7: {  	v17 =	vld [tilespmem:$0x4B0];
	v6 =	vmax.f32 v6, v12  }
0xb8: {  	v18 =	vld [tilespmem:$0x4D0];
	v6 =	vmax.f32 v6, v13  }
0xb9: {  	v19 =	vld [tilespmem:$0x4F0];
	v6 =	vmax.f32 v6, v14  }
0xba: {  	v20 =	vld [tilespmem:$0x510];
	v6 =	vmax.f32 v6, v15  }
0xbb: {  	v21 =	vld [tilespmem:$0x530];
	v6 =	vmax.f32 v6, v16  }
0xbc: {  	v36 =	vld [tilespmem:$0x550];
	vm0 =	veq.f32 v0, v6;
	vm1 =	veq.f32 v1, v6  }
0xbd: {  	v39 =	vld [tilespmem:$0x570];
	vm13 =	veq.f32 v2, v6;
	v37 =	vnsel vm0, $0x45DC8000, v17;
	v38 =	vnsel vm1, $0x45DC8000, v18  }
0xbe: {  	v41 =	vld [tilespmem:$0x590];
	vm14 =	veq.f32 v3, v6;
	v40 =	vnsel vm13, $0x45DC8000, v19;
	v1 =	vmin.f32 v37, v38  }
0xbf: {  	v43 =	vld [tilespmem:$0x5B0];
	vm15 =	veq.f32 v4, v6;
	v42 =	vnsel vm14, $0x45DC8000, v20;
	v1 =	vmin.f32 v1, v40  }
0xc0: {  	v45 =	vld [tilespmem:$0x5D0];
	vm4 =	veq.f32 v5, v6;
	v44 =	vnsel vm15, $0x45DC8000, v21;
	v1 =	vmin.f32 v1, v42  }
0xc1: {  	v46 =	vld [tilespmem:$0x5F0];
	vm5 =	veq.f32 v7, v6;
	v0 =	vnsel vm4, $0x45DC8000, v36;
	v1 =	vmin.f32 v1, v44  }
0xc2: {  	v48 =	vld [tilespmem:$0x610];
	vm6 =	veq.f32 v8, v6;
	v47 =	vnsel vm5, $0x45DC8000, v39;
	v0 =	vmin.f32 v1, v0  }
0xc3: {  	v50 =	vld [tilespmem:$0x630];
	vm7 =	veq.f32 v9, v6;
	v49 =	vnsel vm6, $0x45DC8000, v41;
	v0 =	vmin.f32 v0, v47  }
0xc4: {  	v52 =	vld [tilespmem:$0x650];
	vm8 =	veq.f32 v10, v6;
	v51 =	vnsel vm7, $0x45DC8000, v43;
	v0 =	vmin.f32 v0, v49  }
0xc5: {  	v54 =	vld [tilespmem:$0x670];
	vm9 =	veq.f32 v11, v6;
	v53 =	vnsel vm8, $0x45DC8000, v45;
	v0 =	vmin.f32 v0, v51  }
0xc6: {  	v56 =	vld [tilespmem:$0x690];
	vm10 =	veq.f32 v12, v6;
	v55 =	vnsel vm9, $0x45DC8000, v46;
	v0 =	vmin.f32 v0, v53  }
0xc7: {  	vm11 =	veq.f32 v13, v6;
	v57 =	vnsel vm10, $0x45DC8000, v48;
	v0 =	vmin.f32 v0, v55  }
0xc8: {  	vm12 =	veq.f32 v14, v6;
	v58 =	vnsel vm11, $0x45DC8000, v50;
	v0 =	vmin.f32 v0, v57  }
0xc9: {  	v59 =	vnsel vm12, $0x45DC8000, v52;
	vm13 =	veq.f32 v15, v6;
	v0 =	vmin.f32 v0, v58  }
0xca: {  	vm14 =	veq.f32 v16, v6;
	v60 =	vnsel vm13, $0x45DC8000, v54;
	v0 =	vmin.f32 v0, v59  }
0xcb: {  	v61 =	vnsel vm14, $0x45DC8000, v56;
	v0 =	vmin.f32 v0, v60  }
0xcc: {  	v0 =	vmin.f32 v0, v61  }
0xcd: {  	v0 =	vtrunc.f32 v0  }
0xce: {  	v0 =	vcvt.f32.s32 v0;
	_ =	sdelay $0x1  }
0xcf: {  	(v2sf) =	vpush v0, $0x0;
	_ =	sdelay $0xe  }
0xd0: {  	s29 =	spop (v2sf)  }
0xd1: {  	s5 =	sand.u32 $0xF, s29  }
0xd2: {  	s30 =	sshra.s32 s29, $0x1F;
	p1 =	slt.s32 s29, $0x1;
	p0 =	sne.s32 s5, $0x0  }
0xd3: {  	s5 =	sshrl.u32 s30, $0x1C;
	p0 =	por !p1, !p0  }
0xd4: {  	s3 =	sadd.s32 s5, s29;
	s5 =	simm.s32 $0x1;
	p0 =	por !p0, !p0  }
0xd5: {  	s3 =	sshrl.u32 s3, $0x4;
	s5 =	simm.s32 @!p0 $0x0  }
0xd6: {  	v62 =	vlaneseq.u32;
	v0 =	vand.u32 $0xF, v0;
	s3 =	ssub.s32 s3, s5  }
0xd7: {  	v63 =	vimm.f32 $0.0e+00;
	vm15 =	veq.s32 v0, v62;
	s3 =	sshll.u32 s3, $0x1  }
0xd8: {  	v0 =	vsel vm15, $0x3F800000, v63;
	s3 =	sand.u32 $0x1FFFFFFE, s3  }
0xd9: {  	s31 =	simm.s32 $0x6A0;
	[tilespmem:$0x6A0] =	vst v0;
	s1 =	sadd.s32 s1, s3  }
0xda: {  	[hbm4b:s1+s4] =	stream.linear.scatter [tilespmem:s31], [sflag:$0x4], $0x10, $0x38;
	[tilespmem:$0x6B0] =	vst v63  }
0xdb: {  	_ =	swait.ge [sflag:s28], $0x10  }
0xdc: {  	[sflag:s28] =	ssyncset.done $0x0  }
0xdd: {  	[sflag:s28] =	ssyncadd.s32 $0xFFFFFFF0  }
0xde: {  	_ =	sfence.sel $0x180000  }
0xdf: {  	[bflag:$0x0] =	sbarrier.arrive $0xFFFF  }
0xe0: {  	_ =	strace $0x90000047  }
0xe1: {  	s0 =	sadd.s32 $0x100000, s0;
	[bflag:$0x2] =	sbarrier.arrive $0xFFFF  }
0xe2: {  	[sflag:s0] =	ssyncadd.tile.s32 $0x1;
	_ =	shalt  }
.Lfunc_end2:
_tile_overlayer_lowered:
.L_overlay_start_2:
0xe3: {  	(tag) =	ssettag $0x2  }
0xe4: {  	s0 =	rddreg [dreg:$0x0];
	s2 =	stileid.u32  }
0xe5: {  	s1 =	rddreg [dreg:$0x1];
	p0 =	sne.s32 s2, $0x0  }
0xe6: {  	s3 =	rddreg [dreg:$0x2];
	[bflag:$0x3] =	sbarrier.arrive $0xFFFF;
	s2 =	simm.s32 @!p0 $0x1C04  }
0xe7: {  	[timem:s3], [sflag:s2] =	dma.local @!p0 [hbm:s0], s1  }
0xe8: {  	s0 =	simm.s32 @!p0 $0x4  }
0xe9: {  	_ =	swait.ge @!p0 [sflag:s0], s1  }
0xea: {  	s1 =	ssub.s32 @!p0 $0x0, s1;
	[sflag:s0] =	ssyncset.done @!p0 $0x0  }
0xeb: {  	[sflag:s0] =	ssyncadd.s32 @!p0 s1  }
0xec: {  	[bflag:$0x3] =	sbarrier.arrive $0xFFFF  }
0xed: {  	_ =	shalt  }

</sc_bundles>
